<compile_context>
chip_gen: v7x
topology: tpu7x:2x2x1
jax: 0.10.2.dev20260603
libtpu: 0.0.44.dev20260713+nightly
codegen_flags: <defaults>
</compile_context>

<pallas_src>
import jax
import jax.numpy as jnp
import numpy as np
from jax import lax
from jax.experimental import pallas as pl
from jax.experimental.pallas import tpu as pltpu
from jax.experimental.pallas import tpu_sc as plsc

B, L, K = 4, 1024, 32
ND, ED, HD, NP = 128, 128, 128, 8
POS_SCALE = 10.0
NIDX = B * L * K
BL = 128
E = BL * K
NBLK = (B * L) // BL
RB = 512

NC, NS = 2, 16
NW = NC * NS
NPW = NIDX // NW
CHUNK = 128
NCHUNK = NPW // CHUNK


def _nt(a, b):
    return lax.dot_general(a, b, (((1,), (1,)), ((), ())),
                           preferred_element_type=jnp.float32)


def _nn(a, b):
    return lax.dot_general(a, b, (((1,), (0,)), ((), ())),
                           preferred_element_type=jnp.float32)


def _tn(a, b):
    return lax.dot_general(a, b, (((0,), (0,)), ((), ())),
                           preferred_element_type=jnp.float32)


def _frames_t(xT):
    n_ = [xT[i:i + 1] for i in range(3)]
    ca = [xT[i:i + 1] for i in range(3, 6)]
    c_ = [xT[i:i + 1] for i in range(6, 9)]
    v1 = [c_[i] - ca[i] for i in range(3)]
    v2 = [n_[i] - ca[i] for i in range(3)]
    n1 = jnp.sqrt(v1[0] * v1[0] + v1[1] * v1[1] + v1[2] * v1[2])
    r1 = 1.0 / (n1 + 1e-8)
    e1 = [v1[i] * r1 for i in range(3)]
    d = e1[0] * v2[0] + e1[1] * v2[1] + e1[2] * v2[2]
    u2 = [v2[i] - e1[i] * d for i in range(3)]
    n2 = jnp.sqrt(u2[0] * u2[0] + u2[1] * u2[1] + u2[2] * u2[2])
    r2 = 1.0 / (n2 + 1e-8)
    e2 = [u2[i] * r2 for i in range(3)]
    e3 = [e1[1] * e2[2] - e1[2] * e2[1],
          e1[2] * e2[0] - e1[0] * e2[2],
          e1[0] * e2[1] - e1[1] * e2[0]]
    t = [ca[i] * (1.0 / POS_SCALE) for i in range(3)]
    return e1, e2, e3, t



def _pre_body(hv_ref, x_ref, wp_ref, bp_ref, w1n_ref, w1gn_ref, b1_ref,
              i16_ref, i32_ref, pg_ref, a_ref, dm_ref):
    bf = jnp.bfloat16
    hv_b = hv_ref[...].astype(bf)
    xT = _nt(i16_ref[...], x_ref[...])
    e1, e2, e3, t = _frames_t(xT)
    plT = _nt(wp_ref[...], hv_b) + bp_ref[...]
    plx, ply, plz = plT[0:8], plT[8:16], plT[16:24]
    pln = jnp.sqrt(plx * plx + ply * ply + plz * plz + 1e-8)
    pg = [e1[i] * plx + e2[i] * ply + e3[i] * plz + t[i] for i in range(3)]
    nodegeo = jnp.concatenate([plx, ply, plz, pln], axis=0)
    aT = (_nt(w1n_ref[...], hv_b)
          + _nn(w1gn_ref[...], nodegeo.astype(bf)) + b1_ref[...])
    zero8 = jnp.zeros((8, RB), jnp.float32)
    pgT = jnp.concatenate(pg + [zero8], axis=0)
    ev = jnp.concatenate(
        t + e1 + e2 + e3 + [jnp.zeros((4, RB), jnp.float32)], axis=0)
    pg_ref[...] = _tn(pgT, i32_ref[...]).astype(bf)
    a_ref[...] = aT
    dm_ref[...] = jnp.concatenate([pgT[0:24], ev[0:16]], axis=0)


def _pre_tables(hv2, x16, wp_p, bp_c, w1n, w1gn, b1c, interpret=False):
    i16 = jnp.eye(16, dtype=jnp.float32)
    i32 = jnp.eye(32, dtype=jnp.float32)
    nrb = (B * L) // RB

    def row_spec(r, c):
        return pl.BlockSpec((r, c), lambda i: (i, 0))

    def full_spec(shape):
        return pl.BlockSpec(shape, lambda i: tuple(0 for _ in shape))

    return pl.pallas_call(
        _pre_body,
        grid=(nrb,),
        in_specs=[
            row_spec(RB, ND), row_spec(RB, 16),
            full_spec((24, ND)), full_spec((24, 1)),
            full_spec((HD, ND)), full_spec((HD, 32)), full_spec((HD, 1)),
            full_spec((16, 16)), full_spec((32, 32)),
        ],
        out_specs=[
            pl.BlockSpec((RB, 32), lambda i: (i, 0)),
            pl.BlockSpec((HD, RB), lambda i: (0, i)),
            pl.BlockSpec((40, RB), lambda i: (0, i)),
        ],
        out_shape=[
            jax.ShapeDtypeStruct((B * L, 32), jnp.bfloat16),
            jax.ShapeDtypeStruct((HD, B * L), jnp.float32),
            jax.ShapeDtypeStruct((40, B * L), jnp.float32),
        ],
        interpret=interpret,
    )(hv2, x16, wp_p, bp_c, w1n, w1gn, b1c, i16, i32)



def _sc_gather_body(hv_hbm, pg_hbm, idx_hbm, g1_hbm, g2_hbm,
                    idx_v, rows1_v, rows2_v, sem1, sem2):
    cid = lax.axis_index("c")
    sid = lax.axis_index("s")
    wid = sid * NC + cid
    base = wid * NPW
    batch_off = (base // (L * K)) * L

    def chunk(i, carry):
        off = base + i * CHUNK
        pltpu.sync_copy(idx_hbm.at[pl.ds(off, CHUNK)], idx_v)
        for j in range(CHUNK // 16):
            sl = pl.ds(j * 16, 16)
            idx_v[sl] = idx_v[sl] + batch_off
        cp1 = pltpu.async_copy(hv_hbm.at[idx_v], rows1_v, sem1)
        cp2 = pltpu.async_copy(pg_hbm.at[idx_v], rows2_v, sem2)
        cp1.wait()
        cp2.wait()
        pltpu.sync_copy(rows1_v, g1_hbm.at[pl.ds(off, CHUNK)])
        pltpu.sync_copy(rows2_v, g2_hbm.at[pl.ds(off, CHUNK)])
        return carry

    lax.fori_loop(0, NCHUNK, chunk, 0)


def _sc_gather(hv_bf, pg_tab, idx_flat):
    mesh = plsc.VectorSubcoreMesh(core_axis_name="c", subcore_axis_name="s")
    fn = pl.kernel(
        _sc_gather_body,
        out_type=[
            jax.ShapeDtypeStruct((NIDX, ND), jnp.bfloat16),
            jax.ShapeDtypeStruct((NIDX, 32), jnp.bfloat16),
        ],
        mesh=mesh,
        compiler_params=pltpu.CompilerParams(use_tc_tiling_on_sc=False),
        scratch_types=[
            pltpu.VMEM((CHUNK,), jnp.int32),
            pltpu.VMEM((CHUNK, ND), jnp.bfloat16),
            pltpu.VMEM((CHUNK, 32), jnp.bfloat16),
            pltpu.SemaphoreType.DMA,
            pltpu.SemaphoreType.DMA,
        ],
    )
    return fn(hv_bf, pg_tab, idx_flat)



def _layer_norm_t(x, g, b):
    mu = jnp.mean(x, axis=0, keepdims=True)
    var = jnp.mean((x - mu) ** 2, axis=0, keepdims=True)
    return (x - mu) / jnp.sqrt(var + 1e-5) * g + b


def _tc_body(hv_ref, he_ref, g1_ref, g2_ref, a_ref, dm_ref,
             w1e_ref, w1nb_ref, w1ge_ref, w2_ref, b2_ref, w3_ref, b3_ref,
             wd1_ref, bd1_ref, wd2_ref, bd2_ref,
             g0_ref, be0_ref, g1w_ref, be1_ref,
             i32_ref, i128_ref, out_ref):
    bf = jnp.bfloat16
    hv = hv_ref[...]
    i128 = i128_ref[...]

    il = lax.broadcasted_iota(jnp.int32, (BL, E), 0)
    ie = lax.broadcasted_iota(jnp.int32, (BL, E), 1)
    sel = jnp.where(lax.shift_right_logical(ie, 5) == il, 1.0, 0.0)
    sel = sel.astype(bf)

    de = _nn(dm_ref[...].astype(bf), sel)
    pgxe, pgye, pgze = de[0:8], de[8:16], de[16:24]
    txe, tye, tze = de[24:25], de[25:26], de[26:27]
    e1xe, e1ye, e1ze = de[27:28], de[28:29], de[29:30]
    e2xe, e2ye, e2ze = de[30:31], de[31:32], de[32:33]
    e3xe, e3ye, e3ze = de[33:34], de[34:35], de[35:36]

    pgnT = _nt(i32_ref[...], g2_ref[...])
    pgnx, pgny, pgnz = pgnT[0:8], pgnT[8:16], pgnT[16:24]

    dx = pgnx - txe
    dy = pgny - tye
    dz = pgnz - tze
    nblx = e1xe * dx + e1ye * dy + e1ze * dz
    nbly = e2xe * dx + e2ye * dy + e2ze * dz
    nblz = e3xe * dx + e3ye * dy + e3ze * dz
    nbln = jnp.sqrt(nblx * nblx + nbly * nbly + nblz * nblz + 1e-8)
    gx = pgxe - pgnx
    gy = pgye - pgny
    gz = pgze - pgnz
    nbgn = jnp.sqrt(gx * gx + gy * gy + gz * gz + 1e-8)
    geomT = jnp.concatenate([nblx, nbly, nblz, nbln, nbgn], axis=0)

    h1 = _nt(w1e_ref[...], he_ref[...].astype(bf))
    h1 = h1 + _nt(w1nb_ref[...], g1_ref[...])
    h1 = h1 + _nn(w1ge_ref[...], geomT.astype(bf))
    h1 = h1 + _nn(a_ref[...].astype(bf), sel)
    h1 = jnp.maximum(h1, 0.0).astype(bf)
    h2 = jnp.maximum(_nn(w2_ref[...], h1) + b2_ref[...], 0.0).astype(bf)
    mT = _nn(w3_ref[...], h2) + b3_ref[...]

    meanT = _nt(mT.astype(bf), sel) * (1.0 / K)

    hvT = _nt(i128, hv)
    r0 = _layer_norm_t(hvT + meanT, g0_ref[...], be0_ref[...])
    d1 = jnp.maximum(_nn(wd1_ref[...], r0) + bd1_ref[...], 0.0)
    dm = _nn(wd2_ref[...], d1) + bd2_ref[...]
    r1 = _layer_norm_t(r0 + dm, g1w_ref[...], be1_ref[...])

    out_ref[...] = _tn(r1, i128)


def _tc_forward(hv2, he2, g1_rows, g2_rows, a_tab, dm_tab,
                w1e, w1nb, w1ge, w2, b2c, w3, b3c,
                wd1, bd1c, wd2, bd2c, g0c, be0c, g1c_, be1c,
                interpret=False):
    i32 = jnp.eye(32, dtype=jnp.bfloat16)
    i128 = jnp.eye(128, dtype=jnp.float32)

    def row_spec(r, c):
        return pl.BlockSpec((r, c), lambda i: (i, 0))

    def full_spec(shape):
        return pl.BlockSpec(shape, lambda i: tuple(0 for _ in shape))

    in_specs = [
        row_spec(BL, ND),
        row_spec(E, ED),
        row_spec(E, ND),
        row_spec(E, 32),
        pl.BlockSpec((HD, BL), lambda i: (0, i)),
        pl.BlockSpec((40, BL), lambda i: (0, i)),
        full_spec((HD, ED)),
        full_spec((HD, ND)),
        full_spec((HD, 40)),
        full_spec((HD, HD)),
        full_spec((HD, 1)),
        full_spec((HD, HD)),
        full_spec((HD, 1)),
        full_spec((4 * HD, HD)),
        full_spec((4 * HD, 1)),
        full_spec((HD, 4 * HD)),
        full_spec((HD, 1)),
        full_spec((HD, 1)),
        full_spec((HD, 1)),
        full_spec((HD, 1)),
        full_spec((HD, 1)),
        full_spec((32, 32)),
        full_spec((ND, ND)),
    ]
    return pl.pallas_call(
        _tc_body,
        grid=(NBLK,),
        in_specs=in_specs,
        out_specs=pl.BlockSpec((BL, ND), lambda i: (i, 0)),
        out_shape=jax.ShapeDtypeStruct((B * L, ND), jnp.float32),
        interpret=interpret,
    )(hv2, he2, g1_rows, g2_rows, a_tab, dm_tab, w1e, w1nb, w1ge,
      w2, b2c, w3, b3c, wd1, bd1c, wd2, bd2c, g0c, be0c, g1c_, be1c,
      i32, i128)


_PERM24 = np.array([3 * p + c for c in range(3) for p in range(NP)])


def _prep(h_V, h_E, E_idx, X, Wp, bp, W1, b1, W2, b2, W3, b3,
          Wd1, bd1, Wd2, bd2, g0, be0, g1, be1):
    bf = jnp.bfloat16
    hv2 = h_V.reshape(B * L, ND)
    x9 = X[:, :, :3, :].reshape(B * L, 9)
    x16 = jnp.concatenate(
        [x9, jnp.zeros((B * L, 7), jnp.float32)], axis=1)
    he2 = h_E.reshape(NIDX, ED)
    idx_flat = E_idx.reshape(NIDX).astype(jnp.int32)
    hv_bf = hv2.astype(bf)

    wp_p = Wp[_PERM24, :].astype(bf)
    bp_c = bp[_PERM24].reshape(24, 1)
    w1n = W1[:, 0:ND].astype(bf)
    w1e = W1[:, ND:ND + ED].astype(bf)
    w1nb = W1[:, ND + ED:2 * ND + ED].astype(bf)
    base = 2 * ND + ED
    w1pl = W1[:, base:base + 24][:, _PERM24]
    w1pln = W1[:, base + 24:base + 32]
    w1nbl = W1[:, base + 32:base + 56][:, _PERM24]
    w1nbln = W1[:, base + 56:base + 64]
    w1nbgn = W1[:, base + 64:base + 72]
    w1gn = jnp.concatenate([w1pl, w1pln], axis=1).astype(bf)
    w1ge = jnp.concatenate([w1nbl, w1nbln, w1nbgn], axis=1).astype(bf)

    col = lambda v: v.reshape(-1, 1)
    return (hv2, hv_bf, x16, he2, idx_flat, wp_p, bp_c, w1n, w1gn,
            col(b1), w1e, w1nb, w1ge, W2.astype(bf), col(b2),
            W3.astype(bf), col(b3), Wd1, col(bd1), Wd2, col(bd2),
            col(g0), col(be0), col(g1), col(be1))


def kernel(h_V, h_E, E_idx, X, Wp, bp, W1, b1, W2, b2, W3, b3,
           Wd1, bd1, Wd2, bd2, g0, be0, g1, be1):
    (hv2, hv_bf, x16, he2, idx_flat, wp_p, bp_c, w1n, w1gn, b1c,
     w1e, w1nb, w1ge, w2, b2c, w3, b3c, wd1, bd1c, wd2, bd2c,
     g0c, be0c, g1c_, be1c) = _prep(
        h_V, h_E, E_idx, X, Wp, bp, W1, b1, W2, b2, W3, b3,
        Wd1, bd1, Wd2, bd2, g0, be0, g1, be1)
    pg_tab, a_tab, dm_tab = _pre_tables(hv2, x16, wp_p, bp_c, w1n,
                                        w1gn, b1c)
    g1_rows, g2_rows = _sc_gather(hv_bf, pg_tab, idx_flat)
    out = _tc_forward(hv2, he2, g1_rows, g2_rows, a_tab, dm_tab,
                      w1e, w1nb, w1ge, w2, b2c, w3, b3c, wd1, bd1c,
                      wd2, bd2c, g0c, be0c, g1c_, be1c)
    return (out.reshape(B, L, ND), h_E)

# --- scband reference (transcript-rebuilt; emitter-appended) ---
"""Pipeline reference for scband-pippack-20779051778385 (READ-ONLY COPY).

The authoritative reference and input builder live on the scoring server;
editing this copy changes nothing except your own understanding.
"""

import jax, jax.numpy as jnp
import numpy as np

B, L, K = 4, 1024, 32
ND, ED, HD, NP = 128, 128, 128, 8
POS_SCALE = 10.0


def _lin(k, o, i):
    return jax.random.normal(k, (o, i), jnp.float32) * (1.0 / np.sqrt(i))


def setup_inputs(seed: int = 0) -> dict:
    key = jax.random.key(seed)
    ks = jax.random.split(key, 12)
    inp = {}
    inp["h_V"] = jax.random.normal(ks[0], (B, L, ND), jnp.float32)
    inp["h_E"] = jax.random.normal(ks[1], (B, L, K, ED), jnp.float32)
    inp["E_idx"] = jax.random.randint(ks[2], (B, L, K), 0, L).astype(jnp.int64)
    inp["X"] = jax.random.normal(ks[3], (B, L, 4, 3), jnp.float32) * 3.0
    # learned params (eval mode: dropout = identity)
    inp["Wp"] = _lin(ks[4], NP * 3, ND); inp["bp"] = jnp.zeros((NP * 3,), jnp.float32)
    msg_in = 2 * ND + ED + 9 * NP  # 456
    inp["W1"] = _lin(ks[5], HD, msg_in); inp["b1"] = jnp.zeros((HD,), jnp.float32)
    inp["W2"] = _lin(ks[6], HD, HD); inp["b2"] = jnp.zeros((HD,), jnp.float32)
    inp["W3"] = _lin(ks[7], HD, HD); inp["b3"] = jnp.zeros((HD,), jnp.float32)
    inp["Wd1"] = _lin(ks[8], HD * 4, HD); inp["bd1"] = jnp.zeros((HD * 4,), jnp.float32)
    inp["Wd2"] = _lin(ks[9], HD, HD * 4); inp["bd2"] = jnp.zeros((HD,), jnp.float32)
    inp["g0"] = jnp.ones((HD,), jnp.float32); inp["be0"] = jnp.zeros((HD,), jnp.float32)
    inp["g1"] = jnp.ones((HD,), jnp.float32); inp["be1"] = jnp.zeros((HD,), jnp.float32)
    return inp


def _bb_frames(N, CA, C):
    # AlphaFold Rigid.from_3_points / get_bb_frames: Gram-Schmidt on (C-CA, N-CA)
    v1 = C - CA
    v2 = N - CA
    e1 = v1 / (jnp.linalg.norm(v1, axis=-1, keepdims=True) + 1e-8)
    u2 = v2 - e1 * jnp.sum(e1 * v2, axis=-1, keepdims=True)
    e2 = u2 / (jnp.linalg.norm(u2, axis=-1, keepdims=True) + 1e-8)
    e3 = jnp.cross(e1, e2)
    R = jnp.stack([e1, e2, e3], axis=-1)  # columns are basis vectors
    t = CA
    return R, t


def _layer_norm(x, g, b):
    m = jnp.mean(x, axis=-1, keepdims=True)
    v = jnp.mean((x - m) ** 2, axis=-1, keepdims=True)
    return (x - m) / jnp.sqrt(v + 1e-5) * g + b


def _mlp3(x, W1, b1, W2, b2, W3, b3):
    x = jax.nn.relu(x @ W1.T + b1)
    x = jax.nn.relu(x @ W2.T + b2)
    return x @ W3.T + b3


def reference(h_V, h_E, E_idx, X, Wp, bp, W1, b1, W2, b2, W3, b3, Wd1, bd1, Wd2, bd2, g0, be0, g1, be1):
    Bc, Lc, Kc = E_idx.shape
    R, t = _bb_frames(X[..., 0, :], X[..., 1, :], X[..., 2, :])
    t = t / POS_SCALE  # scale_translation(1/position_scale)
    p_local = (h_V @ Wp.T + bp).reshape(Bc, Lc, NP, 3)
    p_global = jnp.einsum('blij,blpj->blpi', R, p_local) + t[:, :, None, :]
    bidx = jnp.arange(Bc)[:, None, None]
    nb_p_global = p_global[bidx, E_idx]  # gather: [B,L,K,P,3]
    p_global_expand = jnp.broadcast_to(p_global[:, :, None], (Bc, Lc, Kc, NP, 3))
    p_local_expand = jnp.broadcast_to(p_local[:, :, None], (Bc, Lc, Kc, NP, 3))
    p_local_norm = jnp.sqrt(jnp.sum(p_local_expand ** 2, axis=-1) + 1e-8)
    diff = nb_p_global - t[:, :, None, None, :]
    nb_p_local = jnp.einsum('blji,blkpj->blkpi', R, diff)  # R^T (x - t)
    nb_p_local_norm = jnp.sqrt(jnp.sum(nb_p_local ** 2, axis=-1) + 1e-8)
    nb_p_global_norm = jnp.sqrt(jnp.sum((p_global_expand - nb_p_global) ** 2, axis=-1) + 1e-8)
    node_expand = jnp.broadcast_to(h_V[:, :, None, :], (Bc, Lc, Kc, h_V.shape[-1]))
    nb_nodes = h_V[bidx, E_idx]  # gather_nodes
    neighbor_edge = jnp.concatenate([h_E, nb_nodes], axis=-1)  # cat_neighbors_nodes
    message_in = jnp.concatenate([
        node_expand,
        neighbor_edge,
        p_local_expand.reshape(Bc, Lc, Kc, -1),
        p_local_norm,
        nb_p_local.reshape(Bc, Lc, Kc, -1),
        nb_p_local_norm,
        nb_p_global_norm,
    ], axis=-1)
    node_m = _mlp3(message_in, W1, b1, W2, b2, W3, b3)
    node_m = jnp.mean(node_m, axis=-2)
    hv = _layer_norm(h_V + node_m, g0, be0)
    dm = jax.nn.relu(hv @ Wd1.T + bd1) @ Wd2.T + bd2
    hv = _layer_norm(hv + dm, g1, be1)
    return (hv, h_E)

if __name__ == "__main__":
    import jax
    _d = setup_inputs()
    print(jax.jit(kernel)(*tuple(_d.values())))

</pallas_src>

<mosaic_0001>
#map = affine_map<(d0, d1) -> (0, 0)>
#map1 = affine_map<(d0, d1) -> (0)>
module attributes {stable_mosaic.version = 14 : i64} {
  func.func @_sc_gather_body(%arg0: i32, %arg1: i32, %arg2: memref<4096x128xbf16, #tpu.memory_space<hbm>>, %arg3: memref<4096x32xbf16, #tpu.memory_space<hbm>>, %arg4: memref<131072xi32, #tpu.memory_space<hbm>>, %arg5: memref<131072x128xbf16, #tpu.memory_space<hbm>>, %arg6: memref<131072x32xbf16, #tpu.memory_space<hbm>>, %arg7: memref<128xi32, #tpu.memory_space<vmem>>, %arg8: memref<128x128xbf16, #tpu.memory_space<vmem>>, %arg9: memref<128x32xbf16, #tpu.memory_space<vmem>>, %arg10: memref<!tpu.dma_semaphore, #tpu.memory_space<semaphore_mem>>, %arg11: memref<!tpu.dma_semaphore, #tpu.memory_space<semaphore_mem>>) attributes {dimension_semantics = [#tpu.dimension_semantics<core_parallel>, #tpu.dimension_semantics<subcore_parallel>], iteration_bounds = array<i64: 2, 16>, scalar_prefetch = 0 : i64, scratch_operands = 5 : i64, tpu.core_type = #tpu.core_type<sc_vector_subcore>, window_params = [{transform_indices = #map}, {transform_indices = #map}, {transform_indices = #map1}, {transform_indices = #map}, {transform_indices = #map}]} {
    %mul3A = arith.constant 2 : i32
    %mul3A_0 = arith.muli %arg1, %mul3A : i32
    %add3A = arith.addi %mul3A_0, %arg0 : i32
    %mul3A_1 = arith.constant 4096 : i32
    %mul3A_2 = arith.muli %add3A, %mul3A_1 : i32
    %jit3A = arith.constant 32768 : i32
    %div3A = arith.divsi %mul3A_2, %jit3A : i32
    %sign3A = arith.constant 0 : i32
    %sign3A_3 = arith.cmpi sgt, %mul3A_2, %sign3A : i32
    %sign3A_4 = arith.extui %sign3A_3 : i1 to i32
    %sign3A_5 = arith.constant 0 : i32
    %sign3A_6 = arith.cmpi slt, %mul3A_2, %sign3A_5 : i32
    %sign3A_7 = arith.extui %sign3A_6 : i1 to i32
    %sign3A_8 = arith.subi %sign3A_4, %sign3A_7 : i32
    %sign3A_9 = arith.constant 0 : i32
    %sign3A_10 = arith.cmpi sgt, %jit3A, %sign3A_9 : i32
    %sign3A_11 = arith.extui %sign3A_10 : i1 to i32
    %sign3A_12 = arith.constant 0 : i32
    %sign3A_13 = arith.cmpi slt, %jit3A, %sign3A_12 : i32
    %sign3A_14 = arith.extui %sign3A_13 : i1 to i32
    %sign3A_15 = arith.subi %sign3A_11, %sign3A_14 : i32
    %ne3A = arith.cmpi ne, %sign3A_8, %sign3A_15 : i32
    %rem3A = arith.remsi %mul3A_2, %jit3A : i32
    %ne3A_16 = arith.constant 0 : i32
    %ne3A_17 = arith.cmpi ne, %rem3A, %ne3A_16 : i32
    %and3A = arith.andi %ne3A, %ne3A_17 : i1
    %sub3A = arith.constant 1 : i32
    %sub3A_18 = arith.subi %div3A, %sub3A : i32
    %select_n3A = arith.select %and3A, %sub3A_18, %div3A : i32
    %mul3A_19 = arith.constant 1024 : i32
    %mul3A_20 = arith.muli %select_n3A, %mul3A_19 : i32
    %scan3A = arith.constant 0 : i32
    %scan3A_21 = arith.constant 0 : i32
    %scan3A_22 = arith.constant 32 : i32
    %scan3A_23 = arith.addi %scan3A_21, %scan3A_22 : i32
    %scan3A_24 = arith.constant 1 : i32
    scf.for %scan3A_26 = %scan3A_21 to %scan3A_23 step %scan3A_24  : i32 {
      %mul3A_27 = arith.constant 128 : i32
      %mul3A_28 = arith.muli %scan3A_26, %mul3A_27 : i32
      %add3A_29 = arith.addi %mul3A_2, %mul3A_28 : i32
      "tpu.region"() ({
        %run_scoped3A = tpu.sem_alloc : memref<!tpu.dma_semaphore, #tpu.memory_space<semaphore_mem>>
        %dma_start3A_110 = tpu.memref_slice %arg4[%add3A_29] : memref<131072xi32, #tpu.memory_space<hbm>> -> memref<128xi32, #tpu.memory_space<hbm>>
        %dma_start3A_111 = tpu.memref_slice %arg4[%add3A_29] : memref<131072xi32, #tpu.memory_space<hbm>> -> memref<128xi32, #tpu.memory_space<hbm>>
        tpu.enqueue_dma source(%dma_start3A_111 : memref<128xi32, #tpu.memory_space<hbm>>) target(%arg7 : memref<128xi32, #tpu.memory_space<vmem>>) target_semaphore(%run_scoped3A : memref<!tpu.dma_semaphore, #tpu.memory_space<semaphore_mem>>)
        %dma_wait3A_112 = tpu.memref_slice %arg4[%add3A_29] : memref<131072xi32, #tpu.memory_space<hbm>> -> memref<128xi32, #tpu.memory_space<hbm>>
        %dma_wait3A_113 = tpu.memref_slice %arg4[%add3A_29] : memref<131072xi32, #tpu.memory_space<hbm>> -> memref<128xi32, #tpu.memory_space<hbm>>
        tpu.wait_dma2 semaphore(%run_scoped3A : memref<!tpu.dma_semaphore, #tpu.memory_space<semaphore_mem>>) src(%dma_wait3A_113 : memref<128xi32, #tpu.memory_space<hbm>>) dst(%arg7 : memref<128xi32, #tpu.memory_space<vmem>>)
        tpu.yield
      }) : () -> ()
      %get3A = arith.constant 0 : index
      %get3A_30 = tpu.vector_load %arg7[%get3A] {strides = array<i32>} : memref<128xi32, #tpu.memory_space<vmem>>, vector<16xi32>,
      %get3A_31 = vector.shape_cast %get3A_30 : vector<16xi32> to vector<16xi32>
      %add3A_32 = vector.broadcast %mul3A_20 : i32 to vector<16xi32>
      %add3A_33 = arith.addi %get3A_31, %add3A_32 : vector<16xi32>
      %swap3A = arith.constant 0 : index
      %swap3A_34 = tpu.vector_load %arg7[%swap3A] {strides = array<i32>} : memref<128xi32, #tpu.memory_space<vmem>>, vector<16xi32>,
      %swap3A_35 = vector.shape_cast %swap3A_34 : vector<16xi32> to vector<16xi32>
      %swap3A_36 = vector.shape_cast %add3A_33 : vector<16xi32> to vector<16xi32>
      tpu.vector_store %arg7[%swap3A], %swap3A_36 {strides = array<i32>} : memref<128xi32, #tpu.memory_space<vmem>>, vector<16xi32>,
      %get3A_37 = arith.constant 16 : index
      %get3A_38 = tpu.vector_load %arg7[%get3A_37] {strides = array<i32>} : memref<128xi32, #tpu.memory_space<vmem>>, vector<16xi32>,
      %get3A_39 = vector.shape_cast %get3A_38 : vector<16xi32> to vector<16xi32>
      %add3A_40 = vector.broadcast %mul3A_20 : i32 to vector<16xi32>
      %add3A_41 = arith.addi %get3A_39, %add3A_40 : vector<16xi32>
      %swap3A_42 = arith.constant 16 : index
      %swap3A_43 = tpu.vector_load %arg7[%swap3A_42] {strides = array<i32>} : memref<128xi32, #tpu.memory_space<vmem>>, vector<16xi32>,
      %swap3A_44 = vector.shape_cast %swap3A_43 : vector<16xi32> to vector<16xi32>
      %swap3A_45 = vector.shape_cast %add3A_41 : vector<16xi32> to vector<16xi32>
      tpu.vector_store %arg7[%swap3A_42], %swap3A_45 {strides = array<i32>} : memref<128xi32, #tpu.memory_space<vmem>>, vector<16xi32>,
      %get3A_46 = arith.constant 32 : index
      %get3A_47 = tpu.vector_load %arg7[%get3A_46] {strides = array<i32>} : memref<128xi32, #tpu.memory_space<vmem>>, vector<16xi32>,
      %get3A_48 = vector.shape_cast %get3A_47 : vector<16xi32> to vector<16xi32>
      %add3A_49 = vector.broadcast %mul3A_20 : i32 to vector<16xi32>
      %add3A_50 = arith.addi %get3A_48, %add3A_49 : vector<16xi32>
      %swap3A_51 = arith.constant 32 : index
      %swap3A_52 = tpu.vector_load %arg7[%swap3A_51] {strides = array<i32>} : memref<128xi32, #tpu.memory_space<vmem>>, vector<16xi32>,
      %swap3A_53 = vector.shape_cast %swap3A_52 : vector<16xi32> to vector<16xi32>
      %swap3A_54 = vector.shape_cast %add3A_50 : vector<16xi32> to vector<16xi32>
      tpu.vector_store %arg7[%swap3A_51], %swap3A_54 {strides = array<i32>} : memref<128xi32, #tpu.memory_space<vmem>>, vector<16xi32>,
      %get3A_55 = arith.constant 48 : index
      %get3A_56 = tpu.vector_load %arg7[%get3A_55] {strides = array<i32>} : memref<128xi32, #tpu.memory_space<vmem>>, vector<16xi32>,
      %get3A_57 = vector.shape_cast %get3A_56 : vector<16xi32> to vector<16xi32>
      %add3A_58 = vector.broadcast %mul3A_20 : i32 to vector<16xi32>
      %add3A_59 = arith.addi %get3A_57, %add3A_58 : vector<16xi32>
      %swap3A_60 = arith.constant 48 : index
      %swap3A_61 = tpu.vector_load %arg7[%swap3A_60] {strides = array<i32>} : memref<128xi32, #tpu.memory_space<vmem>>, vector<16xi32>,
      %swap3A_62 = vector.shape_cast %swap3A_61 : vector<16xi32> to vector<16xi32>
      %swap3A_63 = vector.shape_cast %add3A_59 : vector<16xi32> to vector<16xi32>
      tpu.vector_store %arg7[%swap3A_60], %swap3A_63 {strides = array<i32>} : memref<128xi32, #tpu.memory_space<vmem>>, vector<16xi32>,
      %get3A_64 = arith.constant 64 : index
      %get3A_65 = tpu.vector_load %arg7[%get3A_64] {strides = array<i32>} : memref<128xi32, #tpu.memory_space<vmem>>, vector<16xi32>,
      %get3A_66 = vector.shape_cast %get3A_65 : vector<16xi32> to vector<16xi32>
      %add3A_67 = vector.broadcast %mul3A_20 : i32 to vector<16xi32>
      %add3A_68 = arith.addi %get3A_66, %add3A_67 : vector<16xi32>
      %swap3A_69 = arith.constant 64 : index
      %swap3A_70 = tpu.vector_load %arg7[%swap3A_69] {strides = array<i32>} : memref<128xi32, #tpu.memory_space<vmem>>, vector<16xi32>,
      %swap3A_71 = vector.shape_cast %swap3A_70 : vector<16xi32> to vector<16xi32>
      %swap3A_72 = vector.shape_cast %add3A_68 : vector<16xi32> to vector<16xi32>
      tpu.vector_store %arg7[%swap3A_69], %swap3A_72 {strides = array<i32>} : memref<128xi32, #tpu.memory_space<vmem>>, vector<16xi32>,
      %get3A_73 = arith.constant 80 : index
      %get3A_74 = tpu.vector_load %arg7[%get3A_73] {strides = array<i32>} : memref<128xi32, #tpu.memory_space<vmem>>, vector<16xi32>,
      %get3A_75 = vector.shape_cast %get3A_74 : vector<16xi32> to vector<16xi32>
      %add3A_76 = vector.broadcast %mul3A_20 : i32 to vector<16xi32>
      %add3A_77 = arith.addi %get3A_75, %add3A_76 : vector<16xi32>
      %swap3A_78 = arith.constant 80 : index
      %swap3A_79 = tpu.vector_load %arg7[%swap3A_78] {strides = array<i32>} : memref<128xi32, #tpu.memory_space<vmem>>, vector<16xi32>,
      %swap3A_80 = vector.shape_cast %swap3A_79 : vector<16xi32> to vector<16xi32>
      %swap3A_81 = vector.shape_cast %add3A_77 : vector<16xi32> to vector<16xi32>
      tpu.vector_store %arg7[%swap3A_78], %swap3A_81 {strides = array<i32>} : memref<128xi32, #tpu.memory_space<vmem>>, vector<16xi32>,
      %get3A_82 = arith.constant 96 : index
      %get3A_83 = tpu.vector_load %arg7[%get3A_82] {strides = array<i32>} : memref<128xi32, #tpu.memory_space<vmem>>, vector<16xi32>,
      %get3A_84 = vector.shape_cast %get3A_83 : vector<16xi32> to vector<16xi32>
      %add3A_85 = vector.broadcast %mul3A_20 : i32 to vector<16xi32>
      %add3A_86 = arith.addi %get3A_84, %add3A_85 : vector<16xi32>
      %swap3A_87 = arith.constant 96 : index
      %swap3A_88 = tpu.vector_load %arg7[%swap3A_87] {strides = array<i32>} : memref<128xi32, #tpu.memory_space<vmem>>, vector<16xi32>,
      %swap3A_89 = vector.shape_cast %swap3A_88 : vector<16xi32> to vector<16xi32>
      %swap3A_90 = vector.shape_cast %add3A_86 : vector<16xi32> to vector<16xi32>
      tpu.vector_store %arg7[%swap3A_87], %swap3A_90 {strides = array<i32>} : memref<128xi32, #tpu.memory_space<vmem>>, vector<16xi32>,
      %get3A_91 = arith.constant 112 : index
      %get3A_92 = tpu.vector_load %arg7[%get3A_91] {strides = array<i32>} : memref<128xi32, #tpu.memory_space<vmem>>, vector<16xi32>,
      %get3A_93 = vector.shape_cast %get3A_92 : vector<16xi32> to vector<16xi32>
      %add3A_94 = vector.broadcast %mul3A_20 : i32 to vector<16xi32>
      %add3A_95 = arith.addi %get3A_93, %add3A_94 : vector<16xi32>
      %swap3A_96 = arith.constant 112 : index
      %swap3A_97 = tpu.vector_load %arg7[%swap3A_96] {strides = array<i32>} : memref<128xi32, #tpu.memory_space<vmem>>, vector<16xi32>,
      %swap3A_98 = vector.shape_cast %swap3A_97 : vector<16xi32> to vector<16xi32>
      %swap3A_99 = vector.shape_cast %add3A_95 : vector<16xi32> to vector<16xi32>
      tpu.vector_store %arg7[%swap3A_96], %swap3A_99 {strides = array<i32>} : memref<128xi32, #tpu.memory_space<vmem>>, vector<16xi32>,
      %dma_start3A = arith.constant 0 : i32
      %dma_start3A_100 = arith.constant 0 : i32
      %dma_start3A_101 = tpu.memref_slice %arg2[%dma_start3A, %dma_start3A_100] : memref<4096x128xbf16, #tpu.memory_space<hbm>> -> memref<4096x128xbf16, #tpu.memory_space<hbm>>
      tpu.enqueue_indirect_dma source(%dma_start3A_101 : memref<4096x128xbf16, #tpu.memory_space<hbm>>) target(%arg8 : memref<128x128xbf16, #tpu.memory_space<vmem>>) offsets(%arg7 : memref<128xi32, #tpu.memory_space<vmem>>) semaphore(%arg10 : memref<!tpu.dma_semaphore, #tpu.memory_space<semaphore_mem>>)
      %dma_start3A_102 = arith.constant 0 : i32
      %dma_start3A_103 = arith.constant 0 : i32
      %dma_start3A_104 = tpu.memref_slice %arg3[%dma_start3A_102, %dma_start3A_103] : memref<4096x32xbf16, #tpu.memory_space<hbm>> -> memref<4096x32xbf16, #tpu.memory_space<hbm>>
      tpu.enqueue_indirect_dma source(%dma_start3A_104 : memref<4096x32xbf16, #tpu.memory_space<hbm>>) target(%arg9 : memref<128x32xbf16, #tpu.memory_space<vmem>>) offsets(%arg7 : memref<128xi32, #tpu.memory_space<vmem>>) semaphore(%arg11 : memref<!tpu.dma_semaphore, #tpu.memory_space<semaphore_mem>>)
      %dma_wait3A = arith.constant 0 : i32
      %dma_wait3A_105 = arith.constant 0 : i32
      %dma_wait3A_106 = tpu.memref_slice %arg2[%dma_wait3A, %dma_wait3A_105] : memref<4096x128xbf16, #tpu.memory_space<hbm>> -> memref<4096x128xbf16, #tpu.memory_space<hbm>>
      tpu.wait_indirect_dma semaphore(%arg10 : memref<!tpu.dma_semaphore, #tpu.memory_space<semaphore_mem>>) src(%dma_wait3A_106 : memref<4096x128xbf16, #tpu.memory_space<hbm>>) dst(%arg8 : memref<128x128xbf16, #tpu.memory_space<vmem>>)
      %dma_wait3A_107 = arith.constant 0 : i32
      %dma_wait3A_108 = arith.constant 0 : i32
      %dma_wait3A_109 = tpu.memref_slice %arg3[%dma_wait3A_107, %dma_wait3A_108] : memref<4096x32xbf16, #tpu.memory_space<hbm>> -> memref<4096x32xbf16, #tpu.memory_space<hbm>>
      tpu.wait_indirect_dma semaphore(%arg11 : memref<!tpu.dma_semaphore, #tpu.memory_space<semaphore_mem>>) src(%dma_wait3A_109 : memref<4096x32xbf16, #tpu.memory_space<hbm>>) dst(%arg9 : memref<128x32xbf16, #tpu.memory_space<vmem>>)
      "tpu.region"() ({
        %run_scoped3A = tpu.sem_alloc : memref<!tpu.dma_semaphore, #tpu.memory_space<semaphore_mem>>
        %dma_start3A_110 = arith.constant 0 : i32
        %dma_start3A_111 = tpu.memref_slice %arg5[%add3A_29, %dma_start3A_110] : memref<131072x128xbf16, #tpu.memory_space<hbm>> -> memref<128x128xbf16, #tpu.memory_space<hbm>>
        %dma_start3A_112 = arith.constant 0 : i32
        %dma_start3A_113 = tpu.memref_slice %arg5[%add3A_29, %dma_start3A_112] : memref<131072x128xbf16, #tpu.memory_space<hbm>> -> memref<128x128xbf16, #tpu.memory_space<hbm>>
        tpu.enqueue_dma source(%arg8 : memref<128x128xbf16, #tpu.memory_space<vmem>>) target(%dma_start3A_113 : memref<128x128xbf16, #tpu.memory_space<hbm>>) target_semaphore(%run_scoped3A : memref<!tpu.dma_semaphore, #tpu.memory_space<semaphore_mem>>)
        %dma_wait3A_114 = arith.constant 0 : i32
        %dma_wait3A_115 = tpu.memref_slice %arg5[%add3A_29, %dma_wait3A_114] : memref<131072x128xbf16, #tpu.memory_space<hbm>> -> memref<128x128xbf16, #tpu.memory_space<hbm>>
        %dma_wait3A_116 = arith.constant 0 : i32
        %dma_wait3A_117 = tpu.memref_slice %arg5[%add3A_29, %dma_wait3A_116] : memref<131072x128xbf16, #tpu.memory_space<hbm>> -> memref<128x128xbf16, #tpu.memory_space<hbm>>
        tpu.wait_dma2 semaphore(%run_scoped3A : memref<!tpu.dma_semaphore, #tpu.memory_space<semaphore_mem>>) src(%arg8 : memref<128x128xbf16, #tpu.memory_space<vmem>>) dst(%dma_wait3A_117 : memref<128x128xbf16, #tpu.memory_space<hbm>>)
        tpu.yield
      }) : () -> ()
      "tpu.region"() ({
        %run_scoped3A = tpu.sem_alloc : memref<!tpu.dma_semaphore, #tpu.memory_space<semaphore_mem>>
        %dma_start3A_110 = arith.constant 0 : i32
        %dma_start3A_111 = tpu.memref_slice %arg6[%add3A_29, %dma_start3A_110] : memref<131072x32xbf16, #tpu.memory_space<hbm>> -> memref<128x32xbf16, #tpu.memory_space<hbm>>
        %dma_start3A_112 = arith.constant 0 : i32
        %dma_start3A_113 = tpu.memref_slice %arg6[%add3A_29, %dma_start3A_112] : memref<131072x32xbf16, #tpu.memory_space<hbm>> -> memref<128x32xbf16, #tpu.memory_space<hbm>>
        tpu.enqueue_dma source(%arg9 : memref<128x32xbf16, #tpu.memory_space<vmem>>) target(%dma_start3A_113 : memref<128x32xbf16, #tpu.memory_space<hbm>>) target_semaphore(%run_scoped3A : memref<!tpu.dma_semaphore, #tpu.memory_space<semaphore_mem>>)
        %dma_wait3A_114 = arith.constant 0 : i32
        %dma_wait3A_115 = tpu.memref_slice %arg6[%add3A_29, %dma_wait3A_114] : memref<131072x32xbf16, #tpu.memory_space<hbm>> -> memref<128x32xbf16, #tpu.memory_space<hbm>>
        %dma_wait3A_116 = arith.constant 0 : i32
        %dma_wait3A_117 = tpu.memref_slice %arg6[%add3A_29, %dma_wait3A_116] : memref<131072x32xbf16, #tpu.memory_space<hbm>> -> memref<128x32xbf16, #tpu.memory_space<hbm>>
        tpu.wait_dma2 semaphore(%run_scoped3A : memref<!tpu.dma_semaphore, #tpu.memory_space<semaphore_mem>>) src(%arg9 : memref<128x32xbf16, #tpu.memory_space<vmem>>) dst(%dma_wait3A_117 : memref<128x32xbf16, #tpu.memory_space<hbm>>)
        tpu.yield
      }) : () -> ()
    }
    %scan3A_25 = arith.constant 32 : i32
    return
  }
}

module attributes {stable_mosaic.version = 14 : i64} {
  func.func @_pre_body(%arg0: i32, %arg1: memref<512x128xf32, #tpu.memory_space<vmem>>, %arg2: memref<512x16xf32, #tpu.memory_space<vmem>>, %arg3: memref<24x128xbf16, #tpu.memory_space<vmem>>, %arg4: memref<24x1xf32, #tpu.memory_space<vmem>>, %arg5: memref<128x128xbf16, #tpu.memory_space<vmem>>, %arg6: memref<128x32xbf16, #tpu.memory_space<vmem>>, %arg7: memref<128x1xf32, #tpu.memory_space<vmem>>, %arg8: memref<16x16xf32, #tpu.memory_space<vmem>>, %arg9: memref<32x32xf32, #tpu.memory_space<vmem>>, %arg10: memref<512x32xbf16, #tpu.memory_space<vmem>>, %arg11: memref<128x512xf32, #tpu.memory_space<vmem>>, %arg12: memref<40x512xf32, #tpu.memory_space<vmem>>) attributes {dimension_semantics = [#tpu.dimension_semantics<arbitrary>], iteration_bounds = array<i64: 8>, scalar_prefetch = 0 : i64, scratch_operands = 0 : i64, tpu.core_type = #tpu.core_type<tc>, window_params = [{transform_indices = @transform_0, window_bounds = array<i64: 512, 128>}, {transform_indices = @transform_1, window_bounds = array<i64: 512, 16>}, {pipeline_mode = #tpu.pipeline_mode<synchronous>, transform_indices = @transform_2, window_bounds = array<i64: 24, 128>}, {pipeline_mode = #tpu.pipeline_mode<synchronous>, transform_indices = @transform_3, window_bounds = array<i64: 24, 1>}, {pipeline_mode = #tpu.pipeline_mode<synchronous>, transform_indices = @transform_4, window_bounds = array<i64: 128, 128>}, {pipeline_mode = #tpu.pipeline_mode<synchronous>, transform_indices = @transform_5, window_bounds = array<i64: 128, 32>}, {pipeline_mode = #tpu.pipeline_mode<synchronous>, transform_indices = @transform_6, window_bounds = array<i64: 128, 1>}, {pipeline_mode = #tpu.pipeline_mode<synchronous>, transform_indices = @transform_7, window_bounds = array<i64: 16, 16>}, {pipeline_mode = #tpu.pipeline_mode<synchronous>, transform_indices = @transform_8, window_bounds = array<i64: 32, 32>}, {transform_indices = @transform_9, window_bounds = array<i64: 512, 32>}, {transform_indices = @transform_10, window_bounds = array<i64: 128, 512>}, {transform_indices = @transform_11, window_bounds = array<i64: 40, 512>}]} {
    %get3A = arith.constant 0 : index
    %get3A_0 = arith.constant 0 : index
    %get3A_1 = vector.load %arg1[%get3A, %get3A_0] : memref<512x128xf32, #tpu.memory_space<vmem>>, vector<512x128xf32>
    %convert_element_type3A = arith.truncf %get3A_1 : vector<512x128xf32> to vector<512x128xbf16>
    %get3A_2 = arith.constant 0 : index
    %get3A_3 = arith.constant 0 : index
    %get3A_4 = vector.load %arg8[%get3A_2, %get3A_3] : memref<16x16xf32, #tpu.memory_space<vmem>>, vector<16x16xf32>
    %get3A_5 = arith.constant 0 : index
    %get3A_6 = arith.constant 0 : index
    %get3A_7 = vector.load %arg2[%get3A_5, %get3A_6] : memref<512x16xf32, #tpu.memory_space<vmem>>, vector<512x16xf32>
    %dot_general3A = arith.constant dense<0.000000e+00> : vector<16x512xf32>
    %dot_general3A_8 = tpu.matmul %get3A_4, %get3A_7, %dot_general3A {dimension_numbers = #tpu.dot_dimension_numbers<[1], [1], [0], [0], [0, 0, 1, 0], [], []>, transpose_lhs_hint = false} : vector<16x16xf32>, vector<512x16xf32>, vector<16x512xf32> -> vector<16x512xf32>
    %slice3A = vector.extract_strided_slice %dot_general3A_8 {offsets = [0, 0], sizes = [1, 512], strides = [1, 1]} : vector<16x512xf32> to vector<1x512xf32>
    %slice3A_9 = vector.extract_strided_slice %dot_general3A_8 {offsets = [1, 0], sizes = [1, 512], strides = [1, 1]} : vector<16x512xf32> to vector<1x512xf32>
    %slice3A_10 = vector.extract_strided_slice %dot_general3A_8 {offsets = [2, 0], sizes = [1, 512], strides = [1, 1]} : vector<16x512xf32> to vector<1x512xf32>
    %slice3A_11 = vector.extract_strided_slice %dot_general3A_8 {offsets = [3, 0], sizes = [1, 512], strides = [1, 1]} : vector<16x512xf32> to vector<1x512xf32>
    %slice3A_12 = vector.extract_strided_slice %dot_general3A_8 {offsets = [4, 0], sizes = [1, 512], strides = [1, 1]} : vector<16x512xf32> to vector<1x512xf32>
    %slice3A_13 = vector.extract_strided_slice %dot_general3A_8 {offsets = [5, 0], sizes = [1, 512], strides = [1, 1]} : vector<16x512xf32> to vector<1x512xf32>
    %slice3A_14 = vector.extract_strided_slice %dot_general3A_8 {offsets = [6, 0], sizes = [1, 512], strides = [1, 1]} : vector<16x512xf32> to vector<1x512xf32>
    %slice3A_15 = vector.extract_strided_slice %dot_general3A_8 {offsets = [7, 0], sizes = [1, 512], strides = [1, 1]} : vector<16x512xf32> to vector<1x512xf32>
    %slice3A_16 = vector.extract_strided_slice %dot_general3A_8 {offsets = [8, 0], sizes = [1, 512], strides = [1, 1]} : vector<16x512xf32> to vector<1x512xf32>
    %sub3A = arith.subf %slice3A_14, %slice3A_11 : vector<1x512xf32>
    %sub3A_17 = arith.subf %slice3A_15, %slice3A_12 : vector<1x512xf32>
    %sub3A_18 = arith.subf %slice3A_16, %slice3A_13 : vector<1x512xf32>
    %sub3A_19 = arith.subf %slice3A, %slice3A_11 : vector<1x512xf32>
    %sub3A_20 = arith.subf %slice3A_9, %slice3A_12 : vector<1x512xf32>
    %sub3A_21 = arith.subf %slice3A_10, %slice3A_13 : vector<1x512xf32>
    %mul3A = arith.mulf %sub3A, %sub3A : vector<1x512xf32>
    %mul3A_22 = arith.mulf %sub3A_17, %sub3A_17 : vector<1x512xf32>
    %add3A = arith.addf %mul3A, %mul3A_22 : vector<1x512xf32>
    %mul3A_23 = arith.mulf %sub3A_18, %sub3A_18 : vector<1x512xf32>
    %add3A_24 = arith.addf %add3A, %mul3A_23 : vector<1x512xf32>
    %sqrt3A = math.sqrt %add3A_24 : vector<1x512xf32>
    %add3A_25 = arith.constant 9.99999993E-9 : f32
    %add3A_26 = vector.broadcast %add3A_25 : f32 to vector<1x512xf32>
    %add3A_27 = arith.addf %sqrt3A, %add3A_26 : vector<1x512xf32>
    %div3A = arith.constant 1.000000e+00 : f32
    %div3A_28 = vector.broadcast %div3A : f32 to vector<1x512xf32>
    %div3A_29 = arith.divf %div3A_28, %add3A_27 : vector<1x512xf32>
    %mul3A_30 = arith.mulf %sub3A, %div3A_29 : vector<1x512xf32>
    %mul3A_31 = arith.mulf %sub3A_17, %div3A_29 : vector<1x512xf32>
    %mul3A_32 = arith.mulf %sub3A_18, %div3A_29 : vector<1x512xf32>
    %mul3A_33 = arith.mulf %mul3A_30, %sub3A_19 : vector<1x512xf32>
    %mul3A_34 = arith.mulf %mul3A_31, %sub3A_20 : vector<1x512xf32>
    %add3A_35 = arith.addf %mul3A_33, %mul3A_34 : vector<1x512xf32>
    %mul3A_36 = arith.mulf %mul3A_32, %sub3A_21 : vector<1x512xf32>
    %add3A_37 = arith.addf %add3A_35, %mul3A_36 : vector<1x512xf32>
    %mul3A_38 = arith.mulf %mul3A_30, %add3A_37 : vector<1x512xf32>
    %sub3A_39 = arith.subf %sub3A_19, %mul3A_38 : vector<1x512xf32>
    %mul3A_40 = arith.mulf %mul3A_31, %add3A_37 : vector<1x512xf32>
    %sub3A_41 = arith.subf %sub3A_20, %mul3A_40 : vector<1x512xf32>
    %mul3A_42 = arith.mulf %mul3A_32, %add3A_37 : vector<1x512xf32>
    %sub3A_43 = arith.subf %sub3A_21, %mul3A_42 : vector<1x512xf32>
    %mul3A_44 = arith.mulf %sub3A_39, %sub3A_39 : vector<1x512xf32>
    %mul3A_45 = arith.mulf %sub3A_41, %sub3A_41 : vector<1x512xf32>
    %add3A_46 = arith.addf %mul3A_44, %mul3A_45 : vector<1x512xf32>
    %mul3A_47 = arith.mulf %sub3A_43, %sub3A_43 : vector<1x512xf32>
    %add3A_48 = arith.addf %add3A_46, %mul3A_47 : vector<1x512xf32>
    %sqrt3A_49 = math.sqrt %add3A_48 : vector<1x512xf32>
    %add3A_50 = arith.constant 9.99999993E-9 : f32
    %add3A_51 = vector.broadcast %add3A_50 : f32 to vector<1x512xf32>
    %add3A_52 = arith.addf %sqrt3A_49, %add3A_51 : vector<1x512xf32>
    %div3A_53 = arith.constant 1.000000e+00 : f32
    %div3A_54 = vector.broadcast %div3A_53 : f32 to vector<1x512xf32>
    %div3A_55 = arith.divf %div3A_54, %add3A_52 : vector<1x512xf32>
    %mul3A_56 = arith.mulf %sub3A_39, %div3A_55 : vector<1x512xf32>
    %mul3A_57 = arith.mulf %sub3A_41, %div3A_55 : vector<1x512xf32>
    %mul3A_58 = arith.mulf %sub3A_43, %div3A_55 : vector<1x512xf32>
    %mul3A_59 = arith.mulf %mul3A_31, %mul3A_58 : vector<1x512xf32>
    %mul3A_60 = arith.mulf %mul3A_32, %mul3A_57 : vector<1x512xf32>
    %sub3A_61 = arith.subf %mul3A_59, %mul3A_60 : vector<1x512xf32>
    %mul3A_62 = arith.mulf %mul3A_32, %mul3A_56 : vector<1x512xf32>
    %mul3A_63 = arith.mulf %mul3A_30, %mul3A_58 : vector<1x512xf32>
    %sub3A_64 = arith.subf %mul3A_62, %mul3A_63 : vector<1x512xf32>
    %mul3A_65 = arith.mulf %mul3A_30, %mul3A_57 : vector<1x512xf32>
    %mul3A_66 = arith.mulf %mul3A_31, %mul3A_56 : vector<1x512xf32>
    %sub3A_67 = arith.subf %mul3A_65, %mul3A_66 : vector<1x512xf32>
    %mul3A_68 = arith.constant 1.000000e-01 : f32
    %mul3A_69 = vector.broadcast %mul3A_68 : f32 to vector<1x512xf32>
    %mul3A_70 = arith.mulf %slice3A_11, %mul3A_69 : vector<1x512xf32>
    %mul3A_71 = arith.constant 1.000000e-01 : f32
    %mul3A_72 = vector.broadcast %mul3A_71 : f32 to vector<1x512xf32>
    %mul3A_73 = arith.mulf %slice3A_12, %mul3A_72 : vector<1x512xf32>
    %mul3A_74 = arith.constant 1.000000e-01 : f32
    %mul3A_75 = vector.broadcast %mul3A_74 : f32 to vector<1x512xf32>
    %mul3A_76 = arith.mulf %slice3A_13, %mul3A_75 : vector<1x512xf32>
    %get3A_77 = arith.constant 0 : index
    %get3A_78 = arith.constant 0 : index
    %get3A_79 = vector.load %arg3[%get3A_77, %get3A_78] : memref<24x128xbf16, #tpu.memory_space<vmem>>, vector<24x128xbf16>
    %dot_general3A_80 = arith.constant dense<0.000000e+00> : vector<24x512xf32>
    %dot_general3A_81 = tpu.matmul %get3A_79, %convert_element_type3A, %dot_general3A_80 {dimension_numbers = #tpu.dot_dimension_numbers<[1], [1], [0], [0], [0, 0, 1, 0], [], []>, transpose_lhs_hint = false} : vector<24x128xbf16>, vector<512x128xbf16>, vector<24x512xf32> -> vector<24x512xf32>
    %get3A_82 = arith.constant 0 : index
    %get3A_83 = arith.constant 0 : index
    %get3A_84 = vector.load %arg4[%get3A_82, %get3A_83] : memref<24x1xf32, #tpu.memory_space<vmem>>, vector<24x1xf32>
    %add3A_85 = vector.broadcast %get3A_84 : vector<24x1xf32> to vector<24x512xf32>
    %add3A_86 = arith.addf %dot_general3A_81, %add3A_85 : vector<24x512xf32>
    %slice3A_87 = vector.extract_strided_slice %add3A_86 {offsets = [0, 0], sizes = [8, 512], strides = [1, 1]} : vector<24x512xf32> to vector<8x512xf32>
    %slice3A_88 = vector.extract_strided_slice %add3A_86 {offsets = [8, 0], sizes = [8, 512], strides = [1, 1]} : vector<24x512xf32> to vector<8x512xf32>
    %slice3A_89 = vector.extract_strided_slice %add3A_86 {offsets = [16, 0], sizes = [8, 512], strides = [1, 1]} : vector<24x512xf32> to vector<8x512xf32>
    %mul3A_90 = arith.mulf %slice3A_87, %slice3A_87 : vector<8x512xf32>
    %mul3A_91 = arith.mulf %slice3A_88, %slice3A_88 : vector<8x512xf32>
    %add3A_92 = arith.addf %mul3A_90, %mul3A_91 : vector<8x512xf32>
    %mul3A_93 = arith.mulf %slice3A_89, %slice3A_89 : vector<8x512xf32>
    %add3A_94 = arith.addf %add3A_92, %mul3A_93 : vector<8x512xf32>
    %add3A_95 = arith.constant 9.99999993E-9 : f32
    %add3A_96 = vector.broadcast %add3A_95 : f32 to vector<8x512xf32>
    %add3A_97 = arith.addf %add3A_94, %add3A_96 : vector<8x512xf32>
    %sqrt3A_98 = math.sqrt %add3A_97 : vector<8x512xf32>
    %mul3A_99 = vector.broadcast %mul3A_30 : vector<1x512xf32> to vector<8x512xf32>
    %mul3A_100 = arith.mulf %mul3A_99, %slice3A_87 : vector<8x512xf32>
    %mul3A_101 = vector.broadcast %mul3A_56 : vector<1x512xf32> to vector<8x512xf32>
    %mul3A_102 = arith.mulf %mul3A_101, %slice3A_88 : vector<8x512xf32>
    %add3A_103 = arith.addf %mul3A_100, %mul3A_102 : vector<8x512xf32>
    %mul3A_104 = vector.broadcast %sub3A_61 : vector<1x512xf32> to vector<8x512xf32>
    %mul3A_105 = arith.mulf %mul3A_104, %slice3A_89 : vector<8x512xf32>
    %add3A_106 = arith.addf %add3A_103, %mul3A_105 : vector<8x512xf32>
    %add3A_107 = vector.broadcast %mul3A_70 : vector<1x512xf32> to vector<8x512xf32>
    %add3A_108 = arith.addf %add3A_106, %add3A_107 : vector<8x512xf32>
    %mul3A_109 = vector.broadcast %mul3A_31 : vector<1x512xf32> to vector<8x512xf32>
    %mul3A_110 = arith.mulf %mul3A_109, %slice3A_87 : vector<8x512xf32>
    %mul3A_111 = vector.broadcast %mul3A_57 : vector<1x512xf32> to vector<8x512xf32>
    %mul3A_112 = arith.mulf %mul3A_111, %slice3A_88 : vector<8x512xf32>
    %add3A_113 = arith.addf %mul3A_110, %mul3A_112 : vector<8x512xf32>
    %mul3A_114 = vector.broadcast %sub3A_64 : vector<1x512xf32> to vector<8x512xf32>
    %mul3A_115 = arith.mulf %mul3A_114, %slice3A_89 : vector<8x512xf32>
    %add3A_116 = arith.addf %add3A_113, %mul3A_115 : vector<8x512xf32>
    %add3A_117 = vector.broadcast %mul3A_73 : vector<1x512xf32> to vector<8x512xf32>
    %add3A_118 = arith.addf %add3A_116, %add3A_117 : vector<8x512xf32>
    %mul3A_119 = vector.broadcast %mul3A_32 : vector<1x512xf32> to vector<8x512xf32>
    %mul3A_120 = arith.mulf %mul3A_119, %slice3A_87 : vector<8x512xf32>
    %mul3A_121 = vector.broadcast %mul3A_58 : vector<1x512xf32> to vector<8x512xf32>
    %mul3A_122 = arith.mulf %mul3A_121, %slice3A_88 : vector<8x512xf32>
    %add3A_123 = arith.addf %mul3A_120, %mul3A_122 : vector<8x512xf32>
    %mul3A_124 = vector.broadcast %sub3A_67 : vector<1x512xf32> to vector<8x512xf32>
    %mul3A_125 = arith.mulf %mul3A_124, %slice3A_89 : vector<8x512xf32>
    %add3A_126 = arith.addf %add3A_123, %mul3A_125 : vector<8x512xf32>
    %add3A_127 = vector.broadcast %mul3A_76 : vector<1x512xf32> to vector<8x512xf32>
    %add3A_128 = arith.addf %add3A_126, %add3A_127 : vector<8x512xf32>
    %concatenate3A = tpu.concatenate %slice3A_87, %slice3A_88, %slice3A_89, %sqrt3A_98 in 0 : vector<8x512xf32>, vector<8x512xf32>, vector<8x512xf32>, vector<8x512xf32> -> vector<32x512xf32>
    %get3A_129 = arith.constant 0 : index
    %get3A_130 = arith.constant 0 : index
    %get3A_131 = vector.load %arg5[%get3A_129, %get3A_130] : memref<128x128xbf16, #tpu.memory_space<vmem>>, vector<128x128xbf16>
    %dot_general3A_132 = arith.constant dense<0.000000e+00> : vector<128x512xf32>
    %dot_general3A_133 = tpu.matmul %get3A_131, %convert_element_type3A, %dot_general3A_132 {dimension_numbers = #tpu.dot_dimension_numbers<[1], [1], [0], [0], [0, 0, 1, 0], [], []>, transpose_lhs_hint = false} : vector<128x128xbf16>, vector<512x128xbf16>, vector<128x512xf32> -> vector<128x512xf32>
    %get3A_134 = arith.constant 0 : index
    %get3A_135 = arith.constant 0 : index
    %get3A_136 = vector.load %arg6[%get3A_134, %get3A_135] : memref<128x32xbf16, #tpu.memory_space<vmem>>, vector<128x32xbf16>
    %convert_element_type3A_137 = arith.truncf %concatenate3A : vector<32x512xf32> to vector<32x512xbf16>
    %dot_general3A_138 = arith.constant dense<0.000000e+00> : vector<128x512xf32>
    %dot_general3A_139 = tpu.matmul %get3A_136, %convert_element_type3A_137, %dot_general3A_138 {dimension_numbers = #tpu.dot_dimension_numbers<[1], [0], [0], [1], [0, 0, 1, 1], [], []>, transpose_lhs_hint = false} : vector<128x32xbf16>, vector<32x512xbf16>, vector<128x512xf32> -> vector<128x512xf32>
    %add3A_140 = arith.addf %dot_general3A_133, %dot_general3A_139 : vector<128x512xf32>
    %get3A_141 = arith.constant 0 : index
    %get3A_142 = arith.constant 0 : index
    %get3A_143 = vector.load %arg7[%get3A_141, %get3A_142] : memref<128x1xf32, #tpu.memory_space<vmem>>, vector<128x1xf32>
    %add3A_144 = vector.broadcast %get3A_143 : vector<128x1xf32> to vector<128x512xf32>
    %add3A_145 = arith.addf %add3A_140, %add3A_144 : vector<128x512xf32>
    %broadcast_in_dim3A = arith.constant 0.000000e+00 : f32
    %broadcast_in_dim3A_146 = vector.broadcast %broadcast_in_dim3A : f32 to vector<8x512xf32>
    %concatenate3A_147 = tpu.concatenate %add3A_108, %add3A_118, %add3A_128, %broadcast_in_dim3A_146 in 0 : vector<8x512xf32>, vector<8x512xf32>, vector<8x512xf32>, vector<8x512xf32> -> vector<32x512xf32>
    %broadcast_in_dim3A_148 = arith.constant 0.000000e+00 : f32
    %broadcast_in_dim3A_149 = vector.broadcast %broadcast_in_dim3A_148 : f32 to vector<4x512xf32>
    %concatenate3A_150 = tpu.concatenate %mul3A_70, %mul3A_73, %mul3A_76, %mul3A_30, %mul3A_31, %mul3A_32, %mul3A_56, %mul3A_57, %mul3A_58, %sub3A_61, %sub3A_64, %sub3A_67, %broadcast_in_dim3A_149 in 0 : vector<1x512xf32>, vector<1x512xf32>, vector<1x512xf32>, vector<1x512xf32>, vector<1x512xf32>, vector<1x512xf32>, vector<1x512xf32>, vector<1x512xf32>, vector<1x512xf32>, vector<1x512xf32>, vector<1x512xf32>, vector<1x512xf32>, vector<4x512xf32> -> vector<16x512xf32>
    %get3A_151 = arith.constant 0 : index
    %get3A_152 = arith.constant 0 : index
    %get3A_153 = vector.load %arg9[%get3A_151, %get3A_152] : memref<32x32xf32, #tpu.memory_space<vmem>>, vector<32x32xf32>
    %dot_general3A_154 = arith.constant dense<0.000000e+00> : vector<512x32xf32>
    %dot_general3A_155 = tpu.matmul %concatenate3A_147, %get3A_153, %dot_general3A_154 {dimension_numbers = #tpu.dot_dimension_numbers<[0], [0], [1], [1], [0, 1, 1, 1], [], []>, transpose_lhs_hint = false} : vector<32x512xf32>, vector<32x32xf32>, vector<512x32xf32> -> vector<512x32xf32>
    %convert_element_type3A_156 = arith.truncf %dot_general3A_155 : vector<512x32xf32> to vector<512x32xbf16>
    %swap3A = arith.constant 0 : index
    %swap3A_157 = arith.constant 0 : index
    %swap3A_158 = vector.load %arg10[%swap3A, %swap3A_157] : memref<512x32xbf16, #tpu.memory_space<vmem>>, vector<512x32xbf16>
    tpu.vector_store %arg10[%swap3A, %swap3A_157], %convert_element_type3A_156 {strides = array<i32>} : memref<512x32xbf16, #tpu.memory_space<vmem>>, vector<512x32xbf16>,
    %swap3A_159 = arith.constant 0 : index
    %swap3A_160 = arith.constant 0 : index
    %swap3A_161 = vector.load %arg11[%swap3A_159, %swap3A_160] : memref<128x512xf32, #tpu.memory_space<vmem>>, vector<128x512xf32>
    tpu.vector_store %arg11[%swap3A_159, %swap3A_160], %add3A_145 {strides = array<i32>} : memref<128x512xf32, #tpu.memory_space<vmem>>, vector<128x512xf32>,
    %slice3A_162 = vector.extract_strided_slice %concatenate3A_147 {offsets = [0, 0], sizes = [24, 512], strides = [1, 1]} : vector<32x512xf32> to vector<24x512xf32>
    %concatenate3A_163 = tpu.concatenate %slice3A_162, %concatenate3A_150 in 0 : vector<24x512xf32>, vector<16x512xf32> -> vector<40x512xf32>
    %swap3A_164 = arith.constant 0 : index
    %swap3A_165 = arith.constant 0 : index
    %swap3A_166 = vector.load %arg12[%swap3A_164, %swap3A_165] : memref<40x512xf32, #tpu.memory_space<vmem>>, vector<40x512xf32>
    tpu.vector_store %arg12[%swap3A_164, %swap3A_165], %concatenate3A_163 {strides = array<i32>} : memref<40x512xf32, #tpu.memory_space<vmem>>, vector<40x512xf32>,
    return
  }
  func.func @transform_0(%arg0: i32) -> (i32, i32) {
    %c0_i32 = arith.constant 0 : i32
    %c0_i32_0 = arith.constant 0 : i32
    return %arg0, %c0_i32 : i32, i32
  }
  func.func @transform_1(%arg0: i32) -> (i32, i32) {
    %c0_i32 = arith.constant 0 : i32
    %c0_i32_0 = arith.constant 0 : i32
    return %arg0, %c0_i32 : i32, i32
  }
  func.func @transform_2(%arg0: i32) -> (i32, i32) {
    %c0_i32 = arith.constant 0 : i32
    %c0_i32_0 = arith.constant 0 : i32
    %c0_i32_1 = arith.constant 0 : i32
    return %c0_i32, %c0_i32_0 : i32, i32
  }
  func.func @transform_3(%arg0: i32) -> (i32, i32) {
    %c0_i32 = arith.constant 0 : i32
    %c0_i32_0 = arith.constant 0 : i32
    %c0_i32_1 = arith.constant 0 : i32
    return %c0_i32, %c0_i32_0 : i32, i32
  }
  func.func @transform_4(%arg0: i32) -> (i32, i32) {
    %c0_i32 = arith.constant 0 : i32
    %c0_i32_0 = arith.constant 0 : i32
    %c0_i32_1 = arith.constant 0 : i32
    return %c0_i32, %c0_i32_0 : i32, i32
  }
  func.func @transform_5(%arg0: i32) -> (i32, i32) {
    %c0_i32 = arith.constant 0 : i32
    %c0_i32_0 = arith.constant 0 : i32
    %c0_i32_1 = arith.constant 0 : i32
    return %c0_i32, %c0_i32_0 : i32, i32
  }
  func.func @transform_6(%arg0: i32) -> (i32, i32) {
    %c0_i32 = arith.constant 0 : i32
    %c0_i32_0 = arith.constant 0 : i32
    %c0_i32_1 = arith.constant 0 : i32
    return %c0_i32, %c0_i32_0 : i32, i32
  }
  func.func @transform_7(%arg0: i32) -> (i32, i32) {
    %c0_i32 = arith.constant 0 : i32
    %c0_i32_0 = arith.constant 0 : i32
    %c0_i32_1 = arith.constant 0 : i32
    return %c0_i32, %c0_i32_0 : i32, i32
  }
  func.func @transform_8(%arg0: i32) -> (i32, i32) {
    %c0_i32 = arith.constant 0 : i32
    %c0_i32_0 = arith.constant 0 : i32
    %c0_i32_1 = arith.constant 0 : i32
    return %c0_i32, %c0_i32_0 : i32, i32
  }
  func.func @transform_9(%arg0: i32) -> (i32, i32) {
    %c0_i32 = arith.constant 0 : i32
    %c0_i32_0 = arith.constant 0 : i32
    return %arg0, %c0_i32 : i32, i32
  }
  func.func @transform_10(%arg0: i32) -> (i32, i32) {
    %c0_i32 = arith.constant 0 : i32
    %c0_i32_0 = arith.constant 0 : i32
    return %c0_i32, %arg0 : i32, i32
  }
  func.func @transform_11(%arg0: i32) -> (i32, i32) {
    %c0_i32 = arith.constant 0 : i32
    %c0_i32_0 = arith.constant 0 : i32
    return %c0_i32, %arg0 : i32, i32
  }
}

module attributes {stable_mosaic.version = 14 : i64} {
  func.func @_tc_body(%arg0: i32, %arg1: memref<128x128xf32, #tpu.memory_space<vmem>>, %arg2: memref<4096x128xf32, #tpu.memory_space<vmem>>, %arg3: memref<4096x128xbf16, #tpu.memory_space<vmem>>, %arg4: memref<4096x32xbf16, #tpu.memory_space<vmem>>, %arg5: memref<128x128xf32, #tpu.memory_space<vmem>>, %arg6: memref<40x128xf32, #tpu.memory_space<vmem>>, %arg7: memref<128x128xbf16, #tpu.memory_space<vmem>>, %arg8: memref<128x128xbf16, #tpu.memory_space<vmem>>, %arg9: memref<128x40xbf16, #tpu.memory_space<vmem>>, %arg10: memref<128x128xbf16, #tpu.memory_space<vmem>>, %arg11: memref<128x1xf32, #tpu.memory_space<vmem>>, %arg12: memref<128x128xbf16, #tpu.memory_space<vmem>>, %arg13: memref<128x1xf32, #tpu.memory_space<vmem>>, %arg14: memref<512x128xf32, #tpu.memory_space<vmem>>, %arg15: memref<512x1xf32, #tpu.memory_space<vmem>>, %arg16: memref<128x512xf32, #tpu.memory_space<vmem>>, %arg17: memref<128x1xf32, #tpu.memory_space<vmem>>, %arg18: memref<128x1xf32, #tpu.memory_space<vmem>>, %arg19: memref<128x1xf32, #tpu.memory_space<vmem>>, %arg20: memref<128x1xf32, #tpu.memory_space<vmem>>, %arg21: memref<128x1xf32, #tpu.memory_space<vmem>>, %arg22: memref<32x32xbf16, #tpu.memory_space<vmem>>, %arg23: memref<128x128xf32, #tpu.memory_space<vmem>>, %arg24: memref<128x128xf32, #tpu.memory_space<vmem>>) attributes {dimension_semantics = [#tpu.dimension_semantics<arbitrary>], iteration_bounds = array<i64: 32>, scalar_prefetch = 0 : i64, scratch_operands = 0 : i64, tpu.core_type = #tpu.core_type<tc>, window_params = [{transform_indices = @transform_0, window_bounds = array<i64: 128, 128>}, {transform_indices = @transform_1, window_bounds = array<i64: 4096, 128>}, {transform_indices = @transform_2, window_bounds = array<i64: 4096, 128>}, {transform_indices = @transform_3, window_bounds = array<i64: 4096, 32>}, {transform_indices = @transform_4, window_bounds = array<i64: 128, 128>}, {transform_indices = @transform_5, window_bounds = array<i64: 40, 128>}, {pipeline_mode = #tpu.pipeline_mode<synchronous>, transform_indices = @transform_6, window_bounds = array<i64: 128, 128>}, {pipeline_mode = #tpu.pipeline_mode<synchronous>, transform_indices = @transform_7, window_bounds = array<i64: 128, 128>}, {pipeline_mode = #tpu.pipeline_mode<synchronous>, transform_indices = @transform_8, window_bounds = array<i64: 128, 40>}, {pipeline_mode = #tpu.pipeline_mode<synchronous>, transform_indices = @transform_9, window_bounds = array<i64: 128, 128>}, {pipeline_mode = #tpu.pipeline_mode<synchronous>, transform_indices = @transform_10, window_bounds = array<i64: 128, 1>}, {pipeline_mode = #tpu.pipeline_mode<synchronous>, transform_indices = @transform_11, window_bounds = array<i64: 128, 128>}, {pipeline_mode = #tpu.pipeline_mode<synchronous>, transform_indices = @transform_12, window_bounds = array<i64: 128, 1>}, {pipeline_mode = #tpu.pipeline_mode<synchronous>, transform_indices = @transform_13, window_bounds = array<i64: 512, 128>}, {pipeline_mode = #tpu.pipeline_mode<synchronous>, transform_indices = @transform_14, window_bounds = array<i64: 512, 1>}, {pipeline_mode = #tpu.pipeline_mode<synchronous>, transform_indices = @transform_15, window_bounds = array<i64: 128, 512>}, {pipeline_mode = #tpu.pipeline_mode<synchronous>, transform_indices = @transform_16, window_bounds = array<i64: 128, 1>}, {pipeline_mode = #tpu.pipeline_mode<synchronous>, transform_indices = @transform_17, window_bounds = array<i64: 128, 1>}, {pipeline_mode = #tpu.pipeline_mode<synchronous>, transform_indices = @transform_18, window_bounds = array<i64: 128, 1>}, {pipeline_mode = #tpu.pipeline_mode<synchronous>, transform_indices = @transform_19, window_bounds = array<i64: 128, 1>}, {pipeline_mode = #tpu.pipeline_mode<synchronous>, transform_indices = @transform_20, window_bounds = array<i64: 128, 1>}, {pipeline_mode = #tpu.pipeline_mode<synchronous>, transform_indices = @transform_21, window_bounds = array<i64: 32, 32>}, {pipeline_mode = #tpu.pipeline_mode<synchronous>, transform_indices = @transform_22, window_bounds = array<i64: 128, 128>}, {transform_indices = @transform_23, window_bounds = array<i64: 128, 128>}]} {
    %get3A = arith.constant 0 : index
    %get3A_0 = arith.constant 0 : index
    %get3A_1 = vector.load %arg1[%get3A, %get3A_0] : memref<128x128xf32, #tpu.memory_space<vmem>>, vector<128x128xf32>
    %get3A_2 = arith.constant 0 : index
    %get3A_3 = arith.constant 0 : index
    %get3A_4 = vector.load %arg23[%get3A_2, %get3A_3] : memref<128x128xf32, #tpu.memory_space<vmem>>, vector<128x128xf32>
    %iota3A = tpu.iota {dimensions = array<i32: 0>} : vector<128x4096xi32>
    %iota3A_5 = tpu.iota {dimensions = array<i32: 1>} : vector<128x4096xi32>
    %shift_right_logical3A = arith.constant 5 : i32
    %shift_right_logical3A_6 = vector.broadcast %shift_right_logical3A : i32 to vector<128x4096xi32>
    %shift_right_logical3A_7 = arith.shrui %iota3A_5, %shift_right_logical3A_6 : vector<128x4096xi32>
    %eq3A = arith.cmpi eq, %shift_right_logical3A_7, %iota3A : vector<128x4096xi32>
    %jit3A = arith.constant 1.000000e+00 : f32
    %jit3A_8 = arith.constant 0.000000e+00 : f32
    %broadcast_in_dim3A = vector.broadcast %jit3A : f32 to vector<128x4096xf32>
    %broadcast_in_dim3A_9 = vector.broadcast %jit3A_8 : f32 to vector<128x4096xf32>
    %select_n3A = arith.select %eq3A, %broadcast_in_dim3A, %broadcast_in_dim3A_9 : vector<128x4096xi1>, vector<128x4096xf32>
    %convert_element_type3A = arith.truncf %select_n3A : vector<128x4096xf32> to vector<128x4096xbf16>
    %get3A_10 = arith.constant 0 : index
    %get3A_11 = arith.constant 0 : index
    %get3A_12 = vector.load %arg6[%get3A_10, %get3A_11] : memref<40x128xf32, #tpu.memory_space<vmem>>, vector<40x128xf32>
    %convert_element_type3A_13 = arith.truncf %get3A_12 : vector<40x128xf32> to vector<40x128xbf16>
    %dot_general3A = arith.constant dense<0.000000e+00> : vector<40x4096xf32>
    %dot_general3A_14 = tpu.matmul %convert_element_type3A_13, %convert_element_type3A, %dot_general3A {dimension_numbers = #tpu.dot_dimension_numbers<[1], [0], [0], [1], [0, 0, 1, 1], [], []>, transpose_lhs_hint = false} : vector<40x128xbf16>, vector<128x4096xbf16>, vector<40x4096xf32> -> vector<40x4096xf32>
    %slice3A = vector.extract_strided_slice %dot_general3A_14 {offsets = [0, 0], sizes = [8, 4096], strides = [1, 1]} : vector<40x4096xf32> to vector<8x4096xf32>
    %slice3A_15 = vector.extract_strided_slice %dot_general3A_14 {offsets = [8, 0], sizes = [8, 4096], strides = [1, 1]} : vector<40x4096xf32> to vector<8x4096xf32>
    %slice3A_16 = vector.extract_strided_slice %dot_general3A_14 {offsets = [16, 0], sizes = [8, 4096], strides = [1, 1]} : vector<40x4096xf32> to vector<8x4096xf32>
    %slice3A_17 = vector.extract_strided_slice %dot_general3A_14 {offsets = [24, 0], sizes = [1, 4096], strides = [1, 1]} : vector<40x4096xf32> to vector<1x4096xf32>
    %slice3A_18 = vector.extract_strided_slice %dot_general3A_14 {offsets = [25, 0], sizes = [1, 4096], strides = [1, 1]} : vector<40x4096xf32> to vector<1x4096xf32>
    %slice3A_19 = vector.extract_strided_slice %dot_general3A_14 {offsets = [26, 0], sizes = [1, 4096], strides = [1, 1]} : vector<40x4096xf32> to vector<1x4096xf32>
    %slice3A_20 = vector.extract_strided_slice %dot_general3A_14 {offsets = [27, 0], sizes = [1, 4096], strides = [1, 1]} : vector<40x4096xf32> to vector<1x4096xf32>
    %slice3A_21 = vector.extract_strided_slice %dot_general3A_14 {offsets = [28, 0], sizes = [1, 4096], strides = [1, 1]} : vector<40x4096xf32> to vector<1x4096xf32>
    %slice3A_22 = vector.extract_strided_slice %dot_general3A_14 {offsets = [29, 0], sizes = [1, 4096], strides = [1, 1]} : vector<40x4096xf32> to vector<1x4096xf32>
    %slice3A_23 = vector.extract_strided_slice %dot_general3A_14 {offsets = [30, 0], sizes = [1, 4096], strides = [1, 1]} : vector<40x4096xf32> to vector<1x4096xf32>
    %slice3A_24 = vector.extract_strided_slice %dot_general3A_14 {offsets = [31, 0], sizes = [1, 4096], strides = [1, 1]} : vector<40x4096xf32> to vector<1x4096xf32>
    %slice3A_25 = vector.extract_strided_slice %dot_general3A_14 {offsets = [32, 0], sizes = [1, 4096], strides = [1, 1]} : vector<40x4096xf32> to vector<1x4096xf32>
    %slice3A_26 = vector.extract_strided_slice %dot_general3A_14 {offsets = [33, 0], sizes = [1, 4096], strides = [1, 1]} : vector<40x4096xf32> to vector<1x4096xf32>
    %slice3A_27 = vector.extract_strided_slice %dot_general3A_14 {offsets = [34, 0], sizes = [1, 4096], strides = [1, 1]} : vector<40x4096xf32> to vector<1x4096xf32>
    %slice3A_28 = vector.extract_strided_slice %dot_general3A_14 {offsets = [35, 0], sizes = [1, 4096], strides = [1, 1]} : vector<40x4096xf32> to vector<1x4096xf32>
    %get3A_29 = arith.constant 0 : index
    %get3A_30 = arith.constant 0 : index
    %get3A_31 = vector.load %arg22[%get3A_29, %get3A_30] : memref<32x32xbf16, #tpu.memory_space<vmem>>, vector<32x32xbf16>
    %get3A_32 = arith.constant 0 : index
    %get3A_33 = arith.constant 0 : index
    %get3A_34 = vector.load %arg4[%get3A_32, %get3A_33] : memref<4096x32xbf16, #tpu.memory_space<vmem>>, vector<4096x32xbf16>
    %dot_general3A_35 = arith.constant dense<0.000000e+00> : vector<32x4096xf32>
    %dot_general3A_36 = tpu.matmul %get3A_31, %get3A_34, %dot_general3A_35 {dimension_numbers = #tpu.dot_dimension_numbers<[1], [1], [0], [0], [0, 0, 1, 0], [], []>, transpose_lhs_hint = false} : vector<32x32xbf16>, vector<4096x32xbf16>, vector<32x4096xf32> -> vector<32x4096xf32>
    %slice3A_37 = vector.extract_strided_slice %dot_general3A_36 {offsets = [0, 0], sizes = [8, 4096], strides = [1, 1]} : vector<32x4096xf32> to vector<8x4096xf32>
    %slice3A_38 = vector.extract_strided_slice %dot_general3A_36 {offsets = [8, 0], sizes = [8, 4096], strides = [1, 1]} : vector<32x4096xf32> to vector<8x4096xf32>
    %slice3A_39 = vector.extract_strided_slice %dot_general3A_36 {offsets = [16, 0], sizes = [8, 4096], strides = [1, 1]} : vector<32x4096xf32> to vector<8x4096xf32>
    %sub3A = vector.broadcast %slice3A_17 : vector<1x4096xf32> to vector<8x4096xf32>
    %sub3A_40 = arith.subf %slice3A_37, %sub3A : vector<8x4096xf32>
    %sub3A_41 = vector.broadcast %slice3A_18 : vector<1x4096xf32> to vector<8x4096xf32>
    %sub3A_42 = arith.subf %slice3A_38, %sub3A_41 : vector<8x4096xf32>
    %sub3A_43 = vector.broadcast %slice3A_19 : vector<1x4096xf32> to vector<8x4096xf32>
    %sub3A_44 = arith.subf %slice3A_39, %sub3A_43 : vector<8x4096xf32>
    %mul3A = vector.broadcast %slice3A_20 : vector<1x4096xf32> to vector<8x4096xf32>
    %mul3A_45 = arith.mulf %mul3A, %sub3A_40 : vector<8x4096xf32>
    %mul3A_46 = vector.broadcast %slice3A_21 : vector<1x4096xf32> to vector<8x4096xf32>
    %mul3A_47 = arith.mulf %mul3A_46, %sub3A_42 : vector<8x4096xf32>
    %add3A = arith.addf %mul3A_45, %mul3A_47 : vector<8x4096xf32>
    %mul3A_48 = vector.broadcast %slice3A_22 : vector<1x4096xf32> to vector<8x4096xf32>
    %mul3A_49 = arith.mulf %mul3A_48, %sub3A_44 : vector<8x4096xf32>
    %add3A_50 = arith.addf %add3A, %mul3A_49 : vector<8x4096xf32>
    %mul3A_51 = vector.broadcast %slice3A_23 : vector<1x4096xf32> to vector<8x4096xf32>
    %mul3A_52 = arith.mulf %mul3A_51, %sub3A_40 : vector<8x4096xf32>
    %mul3A_53 = vector.broadcast %slice3A_24 : vector<1x4096xf32> to vector<8x4096xf32>
    %mul3A_54 = arith.mulf %mul3A_53, %sub3A_42 : vector<8x4096xf32>
    %add3A_55 = arith.addf %mul3A_52, %mul3A_54 : vector<8x4096xf32>
    %mul3A_56 = vector.broadcast %slice3A_25 : vector<1x4096xf32> to vector<8x4096xf32>
    %mul3A_57 = arith.mulf %mul3A_56, %sub3A_44 : vector<8x4096xf32>
    %add3A_58 = arith.addf %add3A_55, %mul3A_57 : vector<8x4096xf32>
    %mul3A_59 = vector.broadcast %slice3A_26 : vector<1x4096xf32> to vector<8x4096xf32>
    %mul3A_60 = arith.mulf %mul3A_59, %sub3A_40 : vector<8x4096xf32>
    %mul3A_61 = vector.broadcast %slice3A_27 : vector<1x4096xf32> to vector<8x4096xf32>
    %mul3A_62 = arith.mulf %mul3A_61, %sub3A_42 : vector<8x4096xf32>
    %add3A_63 = arith.addf %mul3A_60, %mul3A_62 : vector<8x4096xf32>
    %mul3A_64 = vector.broadcast %slice3A_28 : vector<1x4096xf32> to vector<8x4096xf32>
    %mul3A_65 = arith.mulf %mul3A_64, %sub3A_44 : vector<8x4096xf32>
    %add3A_66 = arith.addf %add3A_63, %mul3A_65 : vector<8x4096xf32>
    %mul3A_67 = arith.mulf %add3A_50, %add3A_50 : vector<8x4096xf32>
    %mul3A_68 = arith.mulf %add3A_58, %add3A_58 : vector<8x4096xf32>
    %add3A_69 = arith.addf %mul3A_67, %mul3A_68 : vector<8x4096xf32>
    %mul3A_70 = arith.mulf %add3A_66, %add3A_66 : vector<8x4096xf32>
    %add3A_71 = arith.addf %add3A_69, %mul3A_70 : vector<8x4096xf32>
    %add3A_72 = arith.constant 9.99999993E-9 : f32
    %add3A_73 = vector.broadcast %add3A_72 : f32 to vector<8x4096xf32>
    %add3A_74 = arith.addf %add3A_71, %add3A_73 : vector<8x4096xf32>
    %sqrt3A = math.sqrt %add3A_74 : vector<8x4096xf32>
    %sub3A_75 = arith.subf %slice3A, %slice3A_37 : vector<8x4096xf32>
    %sub3A_76 = arith.subf %slice3A_15, %slice3A_38 : vector<8x4096xf32>
    %sub3A_77 = arith.subf %slice3A_16, %slice3A_39 : vector<8x4096xf32>
    %mul3A_78 = arith.mulf %sub3A_75, %sub3A_75 : vector<8x4096xf32>
    %mul3A_79 = arith.mulf %sub3A_76, %sub3A_76 : vector<8x4096xf32>
    %add3A_80 = arith.addf %mul3A_78, %mul3A_79 : vector<8x4096xf32>
    %mul3A_81 = arith.mulf %sub3A_77, %sub3A_77 : vector<8x4096xf32>
    %add3A_82 = arith.addf %add3A_80, %mul3A_81 : vector<8x4096xf32>
    %add3A_83 = arith.constant 9.99999993E-9 : f32
    %add3A_84 = vector.broadcast %add3A_83 : f32 to vector<8x4096xf32>
    %add3A_85 = arith.addf %add3A_82, %add3A_84 : vector<8x4096xf32>
    %sqrt3A_86 = math.sqrt %add3A_85 : vector<8x4096xf32>
    %concatenate3A = tpu.concatenate %add3A_50, %add3A_58, %add3A_66, %sqrt3A, %sqrt3A_86 in 0 : vector<8x4096xf32>, vector<8x4096xf32>, vector<8x4096xf32>, vector<8x4096xf32>, vector<8x4096xf32> -> vector<40x4096xf32>
    %get3A_87 = arith.constant 0 : index
    %get3A_88 = arith.constant 0 : index
    %get3A_89 = vector.load %arg7[%get3A_87, %get3A_88] : memref<128x128xbf16, #tpu.memory_space<vmem>>, vector<128x128xbf16>
    %get3A_90 = arith.constant 0 : index
    %get3A_91 = arith.constant 0 : index
    %get3A_92 = vector.load %arg2[%get3A_90, %get3A_91] : memref<4096x128xf32, #tpu.memory_space<vmem>>, vector<4096x128xf32>
    %convert_element_type3A_93 = arith.truncf %get3A_92 : vector<4096x128xf32> to vector<4096x128xbf16>
    %dot_general3A_94 = arith.constant dense<0.000000e+00> : vector<128x4096xf32>
    %dot_general3A_95 = tpu.matmul %get3A_89, %convert_element_type3A_93, %dot_general3A_94 {dimension_numbers = #tpu.dot_dimension_numbers<[1], [1], [0], [0], [0, 0, 1, 0], [], []>, transpose_lhs_hint = false} : vector<128x128xbf16>, vector<4096x128xbf16>, vector<128x4096xf32> -> vector<128x4096xf32>
    %get3A_96 = arith.constant 0 : index
    %get3A_97 = arith.constant 0 : index
    %get3A_98 = vector.load %arg8[%get3A_96, %get3A_97] : memref<128x128xbf16, #tpu.memory_space<vmem>>, vector<128x128xbf16>
    %get3A_99 = arith.constant 0 : index
    %get3A_100 = arith.constant 0 : index
    %get3A_101 = vector.load %arg3[%get3A_99, %get3A_100] : memref<4096x128xbf16, #tpu.memory_space<vmem>>, vector<4096x128xbf16>
    %dot_general3A_102 = arith.constant dense<0.000000e+00> : vector<128x4096xf32>
    %dot_general3A_103 = tpu.matmul %get3A_98, %get3A_101, %dot_general3A_102 {dimension_numbers = #tpu.dot_dimension_numbers<[1], [1], [0], [0], [0, 0, 1, 0], [], []>, transpose_lhs_hint = false} : vector<128x128xbf16>, vector<4096x128xbf16>, vector<128x4096xf32> -> vector<128x4096xf32>
    %add3A_104 = arith.addf %dot_general3A_95, %dot_general3A_103 : vector<128x4096xf32>
    %get3A_105 = arith.constant 0 : index
    %get3A_106 = arith.constant 0 : index
    %get3A_107 = vector.load %arg9[%get3A_105, %get3A_106] : memref<128x40xbf16, #tpu.memory_space<vmem>>, vector<128x40xbf16>
    %convert_element_type3A_108 = arith.truncf %concatenate3A : vector<40x4096xf32> to vector<40x4096xbf16>
    %dot_general3A_109 = arith.constant dense<0.000000e+00> : vector<128x4096xf32>
    %dot_general3A_110 = tpu.matmul %get3A_107, %convert_element_type3A_108, %dot_general3A_109 {dimension_numbers = #tpu.dot_dimension_numbers<[1], [0], [0], [1], [0, 0, 1, 1], [], []>, transpose_lhs_hint = false} : vector<128x40xbf16>, vector<40x4096xbf16>, vector<128x4096xf32> -> vector<128x4096xf32>
    %add3A_111 = arith.addf %add3A_104, %dot_general3A_110 : vector<128x4096xf32>
    %get3A_112 = arith.constant 0 : index
    %get3A_113 = arith.constant 0 : index
    %get3A_114 = vector.load %arg5[%get3A_112, %get3A_113] : memref<128x128xf32, #tpu.memory_space<vmem>>, vector<128x128xf32>
    %convert_element_type3A_115 = arith.truncf %get3A_114 : vector<128x128xf32> to vector<128x128xbf16>
    %dot_general3A_116 = arith.constant dense<0.000000e+00> : vector<128x4096xf32>
    %dot_general3A_117 = tpu.matmul %convert_element_type3A_115, %convert_element_type3A, %dot_general3A_116 {dimension_numbers = #tpu.dot_dimension_numbers<[1], [0], [0], [1], [0, 0, 1, 1], [], []>, transpose_lhs_hint = false} : vector<128x128xbf16>, vector<128x4096xbf16>, vector<128x4096xf32> -> vector<128x4096xf32>
    %add3A_118 = arith.addf %add3A_111, %dot_general3A_117 : vector<128x4096xf32>
    %max3A = arith.constant 0.000000e+00 : f32
    %max3A_119 = vector.broadcast %max3A : f32 to vector<128x4096xf32>
    %max3A_120 = arith.maximumf %add3A_118, %max3A_119 : vector<128x4096xf32>
    %convert_element_type3A_121 = arith.truncf %max3A_120 : vector<128x4096xf32> to vector<128x4096xbf16>
    %get3A_122 = arith.constant 0 : index
    %get3A_123 = arith.constant 0 : index
    %get3A_124 = vector.load %arg10[%get3A_122, %get3A_123] : memref<128x128xbf16, #tpu.memory_space<vmem>>, vector<128x128xbf16>
    %dot_general3A_125 = arith.constant dense<0.000000e+00> : vector<128x4096xf32>
    %dot_general3A_126 = tpu.matmul %get3A_124, %convert_element_type3A_121, %dot_general3A_125 {dimension_numbers = #tpu.dot_dimension_numbers<[1], [0], [0], [1], [0, 0, 1, 1], [], []>, transpose_lhs_hint = false} : vector<128x128xbf16>, vector<128x4096xbf16>, vector<128x4096xf32> -> vector<128x4096xf32>
    %get3A_127 = arith.constant 0 : index
    %get3A_128 = arith.constant 0 : index
    %get3A_129 = vector.load %arg11[%get3A_127, %get3A_128] : memref<128x1xf32, #tpu.memory_space<vmem>>, vector<128x1xf32>
    %add3A_130 = vector.broadcast %get3A_129 : vector<128x1xf32> to vector<128x4096xf32>
    %add3A_131 = arith.addf %dot_general3A_126, %add3A_130 : vector<128x4096xf32>
    %max3A_132 = arith.constant 0.000000e+00 : f32
    %max3A_133 = vector.broadcast %max3A_132 : f32 to vector<128x4096xf32>
    %max3A_134 = arith.maximumf %add3A_131, %max3A_133 : vector<128x4096xf32>
    %convert_element_type3A_135 = arith.truncf %max3A_134 : vector<128x4096xf32> to vector<128x4096xbf16>
    %get3A_136 = arith.constant 0 : index
    %get3A_137 = arith.constant 0 : index
    %get3A_138 = vector.load %arg12[%get3A_136, %get3A_137] : memref<128x128xbf16, #tpu.memory_space<vmem>>, vector<128x128xbf16>
    %dot_general3A_139 = arith.constant dense<0.000000e+00> : vector<128x4096xf32>
    %dot_general3A_140 = tpu.matmul %get3A_138, %convert_element_type3A_135, %dot_general3A_139 {dimension_numbers = #tpu.dot_dimension_numbers<[1], [0], [0], [1], [0, 0, 1, 1], [], []>, transpose_lhs_hint = false} : vector<128x128xbf16>, vector<128x4096xbf16>, vector<128x4096xf32> -> vector<128x4096xf32>
    %get3A_141 = arith.constant 0 : index
    %get3A_142 = arith.constant 0 : index
    %get3A_143 = vector.load %arg13[%get3A_141, %get3A_142] : memref<128x1xf32, #tpu.memory_space<vmem>>, vector<128x1xf32>
    %add3A_144 = vector.broadcast %get3A_143 : vector<128x1xf32> to vector<128x4096xf32>
    %add3A_145 = arith.addf %dot_general3A_140, %add3A_144 : vector<128x4096xf32>
    %convert_element_type3A_146 = arith.truncf %add3A_145 : vector<128x4096xf32> to vector<128x4096xbf16>
    %dot_general3A_147 = arith.constant dense<0.000000e+00> : vector<128x128xf32>
    %dot_general3A_148 = tpu.matmul %convert_element_type3A_146, %convert_element_type3A, %dot_general3A_147 {dimension_numbers = #tpu.dot_dimension_numbers<[1], [1], [0], [0], [0, 0, 1, 0], [], []>, transpose_lhs_hint = false} : vector<128x4096xbf16>, vector<128x4096xbf16>, vector<128x128xf32> -> vector<128x128xf32>
    %mul3A_149 = arith.constant 3.125000e-02 : f32
    %mul3A_150 = vector.broadcast %mul3A_149 : f32 to vector<128x128xf32>
    %mul3A_151 = arith.mulf %dot_general3A_148, %mul3A_150 : vector<128x128xf32>
    %dot_general3A_152 = arith.constant dense<0.000000e+00> : vector<128x128xf32>
    %dot_general3A_153 = tpu.matmul %get3A_4, %get3A_1, %dot_general3A_152 {dimension_numbers = #tpu.dot_dimension_numbers<[1], [1], [0], [0], [0, 0, 1, 0], [], []>, transpose_lhs_hint = false} : vector<128x128xf32>, vector<128x128xf32>, vector<128x128xf32> -> vector<128x128xf32>
    %add3A_154 = arith.addf %dot_general3A_153, %mul3A_151 : vector<128x128xf32>
    %get3A_155 = arith.constant 0 : index
    %get3A_156 = arith.constant 0 : index
    %get3A_157 = vector.load %arg18[%get3A_155, %get3A_156] : memref<128x1xf32, #tpu.memory_space<vmem>>, vector<128x1xf32>
    %get3A_158 = arith.constant 0 : index
    %get3A_159 = arith.constant 0 : index
    %get3A_160 = vector.load %arg19[%get3A_158, %get3A_159] : memref<128x1xf32, #tpu.memory_space<vmem>>, vector<128x1xf32>
    %reduce_sum3A = arith.constant dense<0.000000e+00> : vector<128xf32>
    %reduce_sum3A_161 = vector.multi_reduction <add>, %add3A_154, %reduce_sum3A [0] : vector<128x128xf32> to vector<128xf32>
    %broadcast_in_dim3A_162 = vector.shape_cast %reduce_sum3A_161 : vector<128xf32> to vector<1x128xf32>
    %div3A = arith.constant 1.280000e+02 : f32
    %div3A_163 = vector.broadcast %div3A : f32 to vector<1x128xf32>
    %div3A_164 = arith.divf %broadcast_in_dim3A_162, %div3A_163 : vector<1x128xf32>
    %sub3A_165 = vector.broadcast %div3A_164 : vector<1x128xf32> to vector<128x128xf32>
    %sub3A_166 = arith.subf %add3A_154, %sub3A_165 : vector<128x128xf32>
    %integer_pow3A = arith.mulf %sub3A_166, %sub3A_166 : vector<128x128xf32>
    %reduce_sum3A_167 = arith.constant dense<0.000000e+00> : vector<128xf32>
    %reduce_sum3A_168 = vector.multi_reduction <add>, %integer_pow3A, %reduce_sum3A_167 [0] : vector<128x128xf32> to vector<128xf32>
    %broadcast_in_dim3A_169 = vector.shape_cast %reduce_sum3A_168 : vector<128xf32> to vector<1x128xf32>
    %div3A_170 = arith.constant 1.280000e+02 : f32
    %div3A_171 = vector.broadcast %div3A_170 : f32 to vector<1x128xf32>
    %div3A_172 = arith.divf %broadcast_in_dim3A_169, %div3A_171 : vector<1x128xf32>
    %sub3A_173 = vector.broadcast %div3A_164 : vector<1x128xf32> to vector<128x128xf32>
    %sub3A_174 = arith.subf %add3A_154, %sub3A_173 : vector<128x128xf32>
    %add3A_175 = arith.constant 9.99999974E-6 : f32
    %add3A_176 = vector.broadcast %add3A_175 : f32 to vector<1x128xf32>
    %add3A_177 = arith.addf %div3A_172, %add3A_176 : vector<1x128xf32>
    %sqrt3A_178 = math.sqrt %add3A_177 : vector<1x128xf32>
    %div3A_179 = vector.broadcast %sqrt3A_178 : vector<1x128xf32> to vector<128x128xf32>
    %div3A_180 = arith.divf %sub3A_174, %div3A_179 : vector<128x128xf32>
    %mul3A_181 = vector.broadcast %get3A_157 : vector<128x1xf32> to vector<128x128xf32>
    %mul3A_182 = arith.mulf %div3A_180, %mul3A_181 : vector<128x128xf32>
    %add3A_183 = vector.broadcast %get3A_160 : vector<128x1xf32> to vector<128x128xf32>
    %add3A_184 = arith.addf %mul3A_182, %add3A_183 : vector<128x128xf32>
    %get3A_185 = arith.constant 0 : index
    %get3A_186 = arith.constant 0 : index
    %get3A_187 = vector.load %arg14[%get3A_185, %get3A_186] : memref<512x128xf32, #tpu.memory_space<vmem>>, vector<512x128xf32>
    %dot_general3A_188 = arith.constant dense<0.000000e+00> : vector<512x128xf32>
    %dot_general3A_189 = tpu.matmul %get3A_187, %add3A_184, %dot_general3A_188 {dimension_numbers = #tpu.dot_dimension_numbers<[1], [0], [0], [1], [0, 0, 1, 1], [], []>, transpose_lhs_hint = false} : vector<512x128xf32>, vector<128x128xf32>, vector<512x128xf32> -> vector<512x128xf32>
    %get3A_190 = arith.constant 0 : index
    %get3A_191 = arith.constant 0 : index
    %get3A_192 = vector.load %arg15[%get3A_190, %get3A_191] : memref<512x1xf32, #tpu.memory_space<vmem>>, vector<512x1xf32>
    %add3A_193 = vector.broadcast %get3A_192 : vector<512x1xf32> to vector<512x128xf32>
    %add3A_194 = arith.addf %dot_general3A_189, %add3A_193 : vector<512x128xf32>
    %max3A_195 = arith.constant 0.000000e+00 : f32
    %max3A_196 = vector.broadcast %max3A_195 : f32 to vector<512x128xf32>
    %max3A_197 = arith.maximumf %add3A_194, %max3A_196 : vector<512x128xf32>
    %get3A_198 = arith.constant 0 : index
    %get3A_199 = arith.constant 0 : index
    %get3A_200 = vector.load %arg16[%get3A_198, %get3A_199] : memref<128x512xf32, #tpu.memory_space<vmem>>, vector<128x512xf32>
    %dot_general3A_201 = arith.constant dense<0.000000e+00> : vector<128x128xf32>
    %dot_general3A_202 = tpu.matmul %get3A_200, %max3A_197, %dot_general3A_201 {dimension_numbers = #tpu.dot_dimension_numbers<[1], [0], [0], [1], [0, 0, 1, 1], [], []>, transpose_lhs_hint = false} : vector<128x512xf32>, vector<512x128xf32>, vector<128x128xf32> -> vector<128x128xf32>
    %get3A_203 = arith.constant 0 : index
    %get3A_204 = arith.constant 0 : index
    %get3A_205 = vector.load %arg17[%get3A_203, %get3A_204] : memref<128x1xf32, #tpu.memory_space<vmem>>, vector<128x1xf32>
    %add3A_206 = vector.broadcast %get3A_205 : vector<128x1xf32> to vector<128x128xf32>
    %add3A_207 = arith.addf %dot_general3A_202, %add3A_206 : vector<128x128xf32>
    %add3A_208 = arith.addf %add3A_184, %add3A_207 : vector<128x128xf32>
    %get3A_209 = arith.constant 0 : index
    %get3A_210 = arith.constant 0 : index
    %get3A_211 = vector.load %arg20[%get3A_209, %get3A_210] : memref<128x1xf32, #tpu.memory_space<vmem>>, vector<128x1xf32>
    %get3A_212 = arith.constant 0 : index
    %get3A_213 = arith.constant 0 : index
    %get3A_214 = vector.load %arg21[%get3A_212, %get3A_213] : memref<128x1xf32, #tpu.memory_space<vmem>>, vector<128x1xf32>
    %reduce_sum3A_215 = arith.constant dense<0.000000e+00> : vector<128xf32>
    %reduce_sum3A_216 = vector.multi_reduction <add>, %add3A_208, %reduce_sum3A_215 [0] : vector<128x128xf32> to vector<128xf32>
    %broadcast_in_dim3A_217 = vector.shape_cast %reduce_sum3A_216 : vector<128xf32> to vector<1x128xf32>
    %div3A_218 = arith.constant 1.280000e+02 : f32
    %div3A_219 = vector.broadcast %div3A_218 : f32 to vector<1x128xf32>
    %div3A_220 = arith.divf %broadcast_in_dim3A_217, %div3A_219 : vector<1x128xf32>
    %sub3A_221 = vector.broadcast %div3A_220 : vector<1x128xf32> to vector<128x128xf32>
    %sub3A_222 = arith.subf %add3A_208, %sub3A_221 : vector<128x128xf32>
    %integer_pow3A_223 = arith.mulf %sub3A_222, %sub3A_222 : vector<128x128xf32>
    %reduce_sum3A_224 = arith.constant dense<0.000000e+00> : vector<128xf32>
    %reduce_sum3A_225 = vector.multi_reduction <add>, %integer_pow3A_223, %reduce_sum3A_224 [0] : vector<128x128xf32> to vector<128xf32>
    %broadcast_in_dim3A_226 = vector.shape_cast %reduce_sum3A_225 : vector<128xf32> to vector<1x128xf32>
    %div3A_227 = arith.constant 1.280000e+02 : f32
    %div3A_228 = vector.broadcast %div3A_227 : f32 to vector<1x128xf32>
    %div3A_229 = arith.divf %broadcast_in_dim3A_226, %div3A_228 : vector<1x128xf32>
    %sub3A_230 = vector.broadcast %div3A_220 : vector<1x128xf32> to vector<128x128xf32>
    %sub3A_231 = arith.subf %add3A_208, %sub3A_230 : vector<128x128xf32>
    %add3A_232 = arith.constant 9.99999974E-6 : f32
    %add3A_233 = vector.broadcast %add3A_232 : f32 to vector<1x128xf32>
    %add3A_234 = arith.addf %div3A_229, %add3A_233 : vector<1x128xf32>
    %sqrt3A_235 = math.sqrt %add3A_234 : vector<1x128xf32>
    %div3A_236 = vector.broadcast %sqrt3A_235 : vector<1x128xf32> to vector<128x128xf32>
    %div3A_237 = arith.divf %sub3A_231, %div3A_236 : vector<128x128xf32>
    %mul3A_238 = vector.broadcast %get3A_211 : vector<128x1xf32> to vector<128x128xf32>
    %mul3A_239 = arith.mulf %div3A_237, %mul3A_238 : vector<128x128xf32>
    %add3A_240 = vector.broadcast %get3A_214 : vector<128x1xf32> to vector<128x128xf32>
    %add3A_241 = arith.addf %mul3A_239, %add3A_240 : vector<128x128xf32>
    %dot_general3A_242 = arith.constant dense<0.000000e+00> : vector<128x128xf32>
    %dot_general3A_243 = tpu.matmul %add3A_241, %get3A_4, %dot_general3A_242 {dimension_numbers = #tpu.dot_dimension_numbers<[0], [0], [1], [1], [0, 1, 1, 1], [], []>, transpose_lhs_hint = false} : vector<128x128xf32>, vector<128x128xf32>, vector<128x128xf32> -> vector<128x128xf32>
    %swap3A = arith.constant 0 : index
    %swap3A_244 = arith.constant 0 : index
    %swap3A_245 = vector.load %arg24[%swap3A, %swap3A_244] : memref<128x128xf32, #tpu.memory_space<vmem>>, vector<128x128xf32>
    tpu.vector_store %arg24[%swap3A, %swap3A_244], %dot_general3A_243 {strides = array<i32>} : memref<128x128xf32, #tpu.memory_space<vmem>>, vector<128x128xf32>,
    return
  }
  func.func @transform_0(%arg0: i32) -> (i32, i32) {
    %c0_i32 = arith.constant 0 : i32
    %c0_i32_0 = arith.constant 0 : i32
    return %arg0, %c0_i32 : i32, i32
  }
  func.func @transform_1(%arg0: i32) -> (i32, i32) {
    %c0_i32 = arith.constant 0 : i32
    %c0_i32_0 = arith.constant 0 : i32
    return %arg0, %c0_i32 : i32, i32
  }
  func.func @transform_2(%arg0: i32) -> (i32, i32) {
    %c0_i32 = arith.constant 0 : i32
    %c0_i32_0 = arith.constant 0 : i32
    return %arg0, %c0_i32 : i32, i32
  }
  func.func @transform_3(%arg0: i32) -> (i32, i32) {
    %c0_i32 = arith.constant 0 : i32
    %c0_i32_0 = arith.constant 0 : i32
    return %arg0, %c0_i32 : i32, i32
  }
  func.func @transform_4(%arg0: i32) -> (i32, i32) {
    %c0_i32 = arith.constant 0 : i32
    %c0_i32_0 = arith.constant 0 : i32
    return %c0_i32, %arg0 : i32, i32
  }
  func.func @transform_5(%arg0: i32) -> (i32, i32) {
    %c0_i32 = arith.constant 0 : i32
    %c0_i32_0 = arith.constant 0 : i32
    return %c0_i32, %arg0 : i32, i32
  }
  func.func @transform_6(%arg0: i32) -> (i32, i32) {
    %c0_i32 = arith.constant 0 : i32
    %c0_i32_0 = arith.constant 0 : i32
    %c0_i32_1 = arith.constant 0 : i32
    return %c0_i32, %c0_i32_0 : i32, i32
  }
  func.func @transform_7(%arg0: i32) -> (i32, i32) {
    %c0_i32 = arith.constant 0 : i32
    %c0_i32_0 = arith.constant 0 : i32
    %c0_i32_1 = arith.constant 0 : i32
    return %c0_i32, %c0_i32_0 : i32, i32
  }
  func.func @transform_8(%arg0: i32) -> (i32, i32) {
    %c0_i32 = arith.constant 0 : i32
    %c0_i32_0 = arith.constant 0 : i32
    %c0_i32_1 = arith.constant 0 : i32
    return %c0_i32, %c0_i32_0 : i32, i32
  }
  func.func @transform_9(%arg0: i32) -> (i32, i32) {
    %c0_i32 = arith.constant 0 : i32
    %c0_i32_0 = arith.constant 0 : i32
    %c0_i32_1 = arith.constant 0 : i32
    return %c0_i32, %c0_i32_0 : i32, i32
  }
  func.func @transform_10(%arg0: i32) -> (i32, i32) {
    %c0_i32 = arith.constant 0 : i32
    %c0_i32_0 = arith.constant 0 : i32
    %c0_i32_1 = arith.constant 0 : i32
    return %c0_i32, %c0_i32_0 : i32, i32
  }
  func.func @transform_11(%arg0: i32) -> (i32, i32) {
    %c0_i32 = arith.constant 0 : i32
    %c0_i32_0 = arith.constant 0 : i32
    %c0_i32_1 = arith.constant 0 : i32
    return %c0_i32, %c0_i32_0 : i32, i32
  }
  func.func @transform_12(%arg0: i32) -> (i32, i32) {
    %c0_i32 = arith.constant 0 : i32
    %c0_i32_0 = arith.constant 0 : i32
    %c0_i32_1 = arith.constant 0 : i32
    return %c0_i32, %c0_i32_0 : i32, i32
  }
  func.func @transform_13(%arg0: i32) -> (i32, i32) {
    %c0_i32 = arith.constant 0 : i32
    %c0_i32_0 = arith.constant 0 : i32
    %c0_i32_1 = arith.constant 0 : i32
    return %c0_i32, %c0_i32_0 : i32, i32
  }
  func.func @transform_14(%arg0: i32) -> (i32, i32) {
    %c0_i32 = arith.constant 0 : i32
    %c0_i32_0 = arith.constant 0 : i32
    %c0_i32_1 = arith.constant 0 : i32
    return %c0_i32, %c0_i32_0 : i32, i32
  }
  func.func @transform_15(%arg0: i32) -> (i32, i32) {
    %c0_i32 = arith.constant 0 : i32
    %c0_i32_0 = arith.constant 0 : i32
    %c0_i32_1 = arith.constant 0 : i32
    return %c0_i32, %c0_i32_0 : i32, i32
  }
  func.func @transform_16(%arg0: i32) -> (i32, i32) {
    %c0_i32 = arith.constant 0 : i32
    %c0_i32_0 = arith.constant 0 : i32
    %c0_i32_1 = arith.constant 0 : i32
    return %c0_i32, %c0_i32_0 : i32, i32
  }
  func.func @transform_17(%arg0: i32) -> (i32, i32) {
    %c0_i32 = arith.constant 0 : i32
    %c0_i32_0 = arith.constant 0 : i32
    %c0_i32_1 = arith.constant 0 : i32
    return %c0_i32, %c0_i32_0 : i32, i32
  }
  func.func @transform_18(%arg0: i32) -> (i32, i32) {
    %c0_i32 = arith.constant 0 : i32
    %c0_i32_0 = arith.constant 0 : i32
    %c0_i32_1 = arith.constant 0 : i32
    return %c0_i32, %c0_i32_0 : i32, i32
  }
  func.func @transform_19(%arg0: i32) -> (i32, i32) {
    %c0_i32 = arith.constant 0 : i32
    %c0_i32_0 = arith.constant 0 : i32
    %c0_i32_1 = arith.constant 0 : i32
    return %c0_i32, %c0_i32_0 : i32, i32
  }
  func.func @transform_20(%arg0: i32) -> (i32, i32) {
    %c0_i32 = arith.constant 0 : i32
    %c0_i32_0 = arith.constant 0 : i32
    %c0_i32_1 = arith.constant 0 : i32
    return %c0_i32, %c0_i32_0 : i32, i32
  }
  func.func @transform_21(%arg0: i32) -> (i32, i32) {
    %c0_i32 = arith.constant 0 : i32
    %c0_i32_0 = arith.constant 0 : i32
    %c0_i32_1 = arith.constant 0 : i32
    return %c0_i32, %c0_i32_0 : i32, i32
  }
  func.func @transform_22(%arg0: i32) -> (i32, i32) {
    %c0_i32 = arith.constant 0 : i32
    %c0_i32_0 = arith.constant 0 : i32
    %c0_i32_1 = arith.constant 0 : i32
    return %c0_i32, %c0_i32_0 : i32, i32
  }
  func.func @transform_23(%arg0: i32) -> (i32, i32) {
    %c0_i32 = arith.constant 0 : i32
    %c0_i32_0 = arith.constant 0 : i32
    return %arg0, %c0_i32 : i32, i32
  }
}

</mosaic_0001>

<sc_bundles>
// kernel: kernel.5.cloned.1.call-start
scs
__scs_entry_jumppad:
0x0: {  	(pc) =	sbr.rel $0x88, $3  }
0x1: {  	(tag) =	ssettag $0x0;
	lr =	simm.s32 $0x1  }
0x2: {  	[smem:$0x3F8D] =	sst lr;
	_ =	strace $0xD0000000  }
0x3: {  	_ = 	snop  }
0x4: {  	_ = 	snop  }
0x5: {  	_ = 	snop  }
0x6: {  	_ = 	snop  }
0x7: {  	_ = 	snop  }
__scs_overlays_trampoline_lowered:
0x8: {  	[smem:$0x3F9C] =	sst s0  }
0x9: {  	[smem:$0x3F9D] =	sst s1  }
0xa: {  	[smem:$0x3F9E] =	sst s2  }
0xb: {  	[smem:$0x3F9F] =	sst s3  }
0xc: {  	[smem:$0x3FA0] =	sst s4  }
0xd: {  	[smem:$0x3FA1] =	sst s5  }
0xe: {  	[smem:$0x3FA2] =	sst s6  }
0xf: {  	[smem:$0x3FA3] =	sst s7  }
0x10: {  	[smem:$0x3FA4] =	sst s8  }
0x11: {  	[smem:$0x3FA5] =	sst s9;
	s0 =	simm.s32 @!p0 $0x0  }
0x12: {  	s1 =	sld [smem:$0x3F8B];
	s0 =	simm.s32 @p0 $0x1  }
0x13: {  	[smem:$0x3FA6] =	sst s0;
	s0 =	simm.s32 @!p1 $0x0  }
0x14: {  	s2 =	sld [smem:$0x3F8A];
	s0 =	simm.s32 @p1 $0x1  }
0x15: {  	[smem:$0x3FA7] =	sst s0;
	s0 =	simm.s32 @!p2 $0x0  }
0x16: {  	s3 =	sld [smem:$0x3FDB];
	s0 =	simm.s32 @p2 $0x1  }
0x17: {  	s4 =	simm.s32 $0x1BF5;
	[smem:$0x3FA9] =	sst s0  }
0x18: {  	s0 =	sld [smem:$0x3F8C];
	_ =	swait.ge [sflag:s4], $0x0  }
0x19: {  	s7 =	sld [smem:$0x3F8D]  }
0x1a: {  	s8 =	sadd.s32 $0xFFFFE003, lr  }
0x1b: {  	s9 =	sadd.s32 $0xFFFFFEF7, lr;
	s5 =	simm.s32 $0xFFFFFFFF;
	p2 =	slt.u32 s8, $0xFFFFF086  }
0x1c: {  	p1 =	slt.u32 s9, $0xF7A;
	s5 =	simm.s32 @!p2 $0x0  }
0x1d: {  	s5 =	simm.s32 @p1 $0x1;
	p0 =	seq.s32 s7, s2  }
0x1e: {  	s7 =	smul.u32 @!p0 $0xF7A, s2;
	p2 =	seq.s32 @!p0 s5, $0x0  }
0x1f: {  	s9 =	smul.u32 $0xF7A, s1;
	s8 =	simm.s32 @!p0 $0x1BF5;
	p2 =	por !p2, p0  }
0x20: {  	[sflag:s8] =	ssyncset.s32 @!p0 $0xFFFFF086;
	s6 =	sadd.s32 @!p0 s3, s7;
	s7 =	simm.s32 @!p0 $0x108  }
0x21: {  	s3 =	sadd.s32 s3, s9;
	s6 =	sadd.s32 @!p0 $0x88, s6;
	s7 =	simm.s32 @p2 $0x1082  }
0x22: {  	[simem:s7], [sflag:s8] =	dma.local @!p0 [hbm:s6], $0xF7A  }
0x23: {  	s9 =	sor.u32 $0xD0000000, s2;
	s6 =	simm.s32 $0x108;
	_ =	swait.ge @!p0 [sflag:s8], $0x0  }
0x24: {  	s3 =	sadd.s32 $0x88, s3;
	s6 =	simm.s32 @!p1 $0x1082;
	[sflag:s4] =	ssyncset.s32 $0xFFFFF086  }
0x25: {  	[simem:s6], [sflag:s4] =	dma.local [hbm:s3], $0xF7A  }
0x26: {  	[smem:$0x3F8D] =	sst s1;
	(tag) =	ssettag s2;
	_ =	strace s9  }
0x27: {  	s1 =	sld [smem:$0x3F9D]  }
0x28: {  	s2 =	sld [smem:$0x3F9E]  }
0x29: {  	s4 =	sld [smem:$0x3FA0]  }
0x2a: {  	p0 =	seq.s32 s5, $0x0;
	s5 =	sld [smem:$0x3FA1]  }
0x2b: {  	s6 =	sld [smem:$0x3FA2]  }
0x2c: {  	s7 =	sld [smem:$0x3FA3]  }
0x2d: {  	s3 =	simm.s32 $0x108;
	s8 =	sld [smem:$0x3FA4]  }
0x2e: {  	s3 =	simm.s32 @!p0 $0x1082;
	s9 =	sld [smem:$0x3FA5]  }
0x2f: {  	lr =	sadd.s32 s0, s3;
	s0 =	sld [smem:$0x3F9C]  }
0x30: {  	s3 =	sld [smem:$0x3F9F]  }
0x31: {  	[smem:$0x3FA8] =	sst s10  }
0x32: {  	s10 =	sld [smem:$0x3FA6];
	_ =	sdelay $0x3  }
0x33: {  	p0 =	seq.s32 s10, $0x1;
	s10 =	sld [smem:$0x3FA8];
	_ =	sdelay $0x3  }
0x34: {  	[smem:$0x3FA8] =	sst s10  }
0x35: {  	s10 =	sld [smem:$0x3FA7];
	_ =	sdelay $0x3  }
0x36: {  	p1 =	seq.s32 s10, $0x1;
	s10 =	sld [smem:$0x3FA8];
	_ =	sdelay $0x3  }
0x37: {  	[smem:$0x3FA8] =	sst s10  }
0x38: {  	s10 =	sld [smem:$0x3FA9]  }
0x39: {  	_ = 	snop;
	(pc) =	sbr.ind lr, $3  }
0x3a: {  	_ = 	snop  }
0x3b: {  	_ = 	snop  }
0x3c: {  	p2 =	seq.s32 s10, $0x1;
	s10 =	sld [smem:$0x3FA8]  }
0x3d: {  	_ =	shalt  }
0x3e: {  	_ =	shalt  }
0x3f: {  	_ =	shalt  }
0x40: {  	_ =	shalt  }
0x41: {  	_ =	shalt  }
0x42: {  	_ =	shalt  }
0x43: {  	_ =	shalt  }
0x44: {  	_ =	shalt  }
0x45: {  	_ =	shalt  }
0x46: {  	_ =	shalt  }
0x47: {  	_ =	shalt  }
0x48: {  	_ =	shalt  }
0x49: {  	_ =	shalt  }
0x4a: {  	_ =	shalt  }
0x4b: {  	_ =	shalt  }
0x4c: {  	_ =	shalt  }
0x4d: {  	_ =	shalt  }
0x4e: {  	_ =	shalt  }
0x4f: {  	_ =	shalt  }
0x50: {  	_ =	shalt  }
0x51: {  	_ =	shalt  }
0x52: {  	_ =	shalt  }
0x53: {  	_ =	shalt  }
0x54: {  	_ =	shalt  }
0x55: {  	_ =	shalt  }
0x56: {  	_ =	shalt  }
0x57: {  	_ =	shalt  }
0x58: {  	_ =	shalt  }
0x59: {  	_ =	shalt  }
0x5a: {  	_ =	shalt  }
0x5b: {  	_ =	shalt  }
0x5c: {  	_ =	shalt  }
0x5d: {  	_ =	shalt  }
0x5e: {  	_ =	shalt  }
0x5f: {  	_ =	shalt  }
0x60: {  	_ =	shalt  }
0x61: {  	_ =	shalt  }
0x62: {  	_ =	shalt  }
0x63: {  	_ =	shalt  }
0x64: {  	_ =	shalt  }
0x65: {  	_ =	shalt  }
0x66: {  	_ =	shalt  }
0x67: {  	_ =	shalt  }
0x68: {  	_ =	shalt  }
0x69: {  	_ =	shalt  }
0x6a: {  	_ =	shalt  }
0x6b: {  	_ =	shalt  }
0x6c: {  	_ =	shalt  }
0x6d: {  	_ =	shalt  }
0x6e: {  	_ =	shalt  }
0x6f: {  	_ =	shalt  }
0x70: {  	_ =	shalt  }
0x71: {  	_ =	shalt  }
0x72: {  	_ =	shalt  }
0x73: {  	_ =	shalt  }
0x74: {  	_ =	shalt  }
0x75: {  	_ =	shalt  }
0x76: {  	_ =	shalt  }
0x77: {  	_ =	shalt  }
0x78: {  	_ =	shalt  }
0x79: {  	_ =	shalt  }
0x7a: {  	_ =	shalt  }
0x7b: {  	_ =	shalt  }
0x7c: {  	_ =	shalt  }
0x7d: {  	_ =	shalt  }
0x7e: {  	_ =	shalt  }
0x7f: {  	_ =	shalt  }
0x80: {  	_ =	shalt  }
0x81: {  	_ =	shalt  }
0x82: {  	_ =	shalt  }
0x83: {  	_ =	shalt  }
0x84: {  	_ =	shalt  }
0x85: {  	_ =	shalt  }
0x86: {  	_ =	shalt  }
0x87: {  	_ =	shalt  }
.Lfunc_end0:
.L_simem_size_0:
called_computation_lowered:
.L_overlay_start_0:
0x88: {  	s2 =	sld [smem:$0x3FD9]  }
0x89: {  	s3 =	sld [smem:$0x3FFE];
	_ =	sdelay $0x1  }
0x8a: {  	s1 =	srdreg.scid  }
0x8b: {  	s0 =	sand.u32 $0x1, s1  }
0x8c: {  	s14 =	sshll.u32 s0, $0xA;
	s2 =	sadd.s32 s3, s2  }
0x8d: {  	s2 =	sadd.s32 s2, s14  }
0x8e: {  	[smem:$0x3FB4] =	sst s2  }
0x8f: {  	_ = 	snop  }
0x90: {  	s2 =	sld [smem:$0x3FD0];
	_ =	sdelay $0x2  }
0x91: {  	s15 =	simm.s32 $0xA;
	s4 =	simm.s32 $0x10  }
0x92: {  	[smem:s4], [sflag:s15] =	dma.local [hbm:s2], $0x1  }
0x93: {  	_ =	swait.eq [sflag:s15], $0x1  }
0x94: {  	[sflag:s15] =	ssyncset.done $0x0  }
0x95: {  	s16 =	sld [smem:$0x10];
	[sflag:s15] =	ssyncadd.s32 $0xFFFFFFFF  }
0x96: {  	s17 =	sld [smem:$0x11];
	(tm) =	ssettm $0x1  }
0x97: {  	s18 =	sld [smem:$0x3FFB];
	_ =	sdelay $0x3  }
0x98: {  	_ =	strace s18  }
0x99: {  	s4 =	sld [smem:$0x3FFC];
	_ =	sdelay $0x3  }
0x9a: {  	_ =	strace s4  }
0x9b: {  	s4 =	sld [smem:$0x3FFD];
	_ =	sdelay $0x3  }
0x9c: {  	_ =	strace s4  }
0x9d: {  	_ =	strace $0x8FFFFFFF  }
0x9e: {  	s19 =	sld [smem:$0x3FDB];
	_ =	sdelay $0x1  }
0x9f: {  	s5 =	simm.s32 $_scs_section_size  }
0xa0: {  	s6 =	simm.s32 $_size__tile_overlayer_lowered;
	s7 =	simm.s32 $_tile_overlayer_lowered  }
0xa1: {  	s22 =	simm.s32 $0x1BFF;
	s21 =	sshll.u32 s7, $0x1;
	s4 =	sadd.s32 s5, s19  }
0xa2: {  	s8 =	simm.s32 $0x0;
	s20 =	sshll.u32 s6, $0x1;
	s6 =	sadd.s32 s21, s4  }
0xa3: {  	[timem:s8], [sflag:s22] =	dma.local [hbm:s6], s20  }
0xa4: {  	_ =	swait.ge [sflag:s22], s20  }
0xa5: {  	s5 =	ssub.s32 $0x0, s20;
	[sflag:s22] =	ssyncset.done $0x0  }
0xa6: {  	[sflag:s22] =	ssyncadd.s32 s5;
	_ =	sdelay $0x1  }
0xa7: {  	s23 =	simm.s32 $0x1B8B  }
0xa8: {  	_ =	swait.ge [sflag:s23], $0x1  }
0xa9: {  	[sflag:s23] =	ssyncset.done $0x0  }
0xaa: {  	s25 =	simm.s32 $0x1B8E;
	s24 =	sld [smem:$0x3FFE];
	[sflag:s23] =	ssyncadd.s32 $0xFFFFFFFF  }
0xab: {  	s26 =	simm.s32 $execute0_lowered;
	[smem:$0x3FD2] =	sst s25  }
0xac: {  	s6 =	sshll.u32 s26, $0x1;
	_ =	strace $0x80000046;
	[dreg:$0x1] =	wrdreg $0xFFFFFFFF  }
0xad: {  	s28 =	simm.s32 $_size_execute0_lowered;
	s4 =	sadd.s32 s4, s6;
	[dreg:$0x0] =	wrdreg $0x0  }
0xae: {  	s6 =	sshll.u32 s28, $0x1;
	[dreg:$0x2] =	wrdreg s4  }
0xaf: {  	[dreg:$0x3] =	wrdreg s6  }
0xb0: {  	[dreg:$0x4] =	wrdreg $0xC0  }
0xb1: {  	_ =	task [dreg:s8], $0x5FFFF  }
0xb2: {  	[dreg:$0x1] =	wrdreg $0xFFFFFFFF  }
0xb3: {  	[dreg:$0x0] =	wrdreg $0x60  }
0xb4: {  	[dreg:$0x2] =	wrdreg s16  }
0xb5: {  	[dreg:$0x3] =	wrdreg s24  }
0xb6: {  	[dreg:$0x4] =	wrdreg s17  }
0xb7: {  	[dreg:$0x5] =	wrdreg $0x9  }
0xb8: {  	_ =	task.clear_ibuf [dreg:s8], $0x6FFFF;
	_ =	strace $0x90000046  }
0xb9: {  	s29 =	simm.s32 $0x9;
	_ =	strace $0x80000048  }
0xba: {  	_ =	swait.ge [sflag:s29], $0x1  }
0xbb: {  	[sflag:s29] =	ssyncadd.s32 $0xFFFFFFFF  }
0xbc: {  	_ =	strace $0x90000048  }
0xbd: {  	_ =	sfence  }
0xbe: {  	s30 =	sld [smem:$0x0];
	_ =	sdelay $0x2  }
0xbf: {  	s31 =	sshll.u32 s1, $0xD;
	s1 =	sshrl.u32 s1, $0x2  }
0xc0: {  	s3 =	sand.u32 $0x4000, s31;
	s1 =	sadd.s32 s1, s30  }
0xc1: {  	s0 =	sor.u32 s3, s0;
	s1 =	sshll.u32 s1, $0x11  }
0xc2: {  	s0 =	sor.u32 s1, s0  }
0xc3: {  	s0 =	sadd.s32 $0x8F2B, s0  }
0xc4: {  	[sflag:s0] =	ssyncadd.remote.s32 $0x1  }
0xc5: {  	_ =	sfence.sel $0xFFFF  }
0xc6: {  	[dreg:$0x0] =	wrdreg $0xFFFFFFFF;
	(pc) =	sbr.abs _section_cstart, $3  }
0xc7: {  	[dreg:$0x1] =	wrdreg $0xFFFFFFFF  }
0xc8: {  	_ =	task.clear_ibuf [dreg:s8], $0x2FFFF;
	_ =	strace $0x9FFFFFFF  }
0xc9: {  	(tm) =	ssettm $0x7FFFFFFF  }
tec
execute0_lowered:
.L_overlay_start_1:
0x0: {  	(tag) =	ssettag $0x1  }
0x1: {  	s1 =	rddreg [dreg:$0x0]  }
0x2: {  	s5 =	rddreg [dreg:$0x1]  }
0x3: {  	s8 =	rddreg [dreg:$0x2]  }
0x4: {  	s0 =	rddreg [dreg:$0x3];
	s2 =	simm.s32 $0x0  }
0x5: {  	s6 =	srdreg.scid;
	s3 =	stileid.u32;
	s14 =	simm.s32 $0x0  }
0x6: {  	[smem:$0x7FF] =	sst s2;
	s4 =	sadd.s32 $0x3200, s5;
	s6 =	sand.u32 $0x1, s6  }
0x7: {  	s7 =	sshll.u32 s3, $0x10;
	s9 =	sshll.u32 s3, $0xE;
	s30 =	sshll.u32 s3, $0xD  }
0x8: {  	s11 =	sshll.u32 s3, $0x8;
	_ =	strace $0x80000047;
	s10 =	ssub.s32 $0x2, s6  }
0x9: {  	s7 =	sadd.s32 s7, s5;
	s9 =	sadd.s32 s9, s5;
	s12 =	sshll.u32 s6, $0xC  }
0xa: {  	s13 =	sand.u32 $0xC00, s11;
	s31 =	sshll.u32 s6, $0xD;
	s6 =	sshll.u32 s6, $0xF  }
0xb: {  	s11 =	simm.s32 $0x2080;
	s29 =	sshrl.u32 s10, $0x1;
	s9 =	sadd.s32 s31, s9  }
0xc: {  	s7 =	sadd.s32 s6, s7;
	v0 =	vmov s13;
	s13 =	simm.s32 $0x2;
	s5 =	ssub.s32 s10, s29  }
0xd: {  	s10 =	sor.u32 s12, s30;
	s6 =	sadd.s32 $0x105200, s9;
	s7 =	sadd.s32 $0x5200, s7  }
0xe: {  	s9 =	simm.s32 $0x3;
	s12 =	simm.s32 $0x1;
	s10 =	sshrl.u32 s10, $0x3  }
0xf: {  	s5 =	smax.u32 s5, $0x1;
	s8 =	sadd.s32 s10, s8;
	s10 =	simm.s32 $0x80  }
.LBB2_1:
0x10: {  	s15 =	sadd.s32 $0x0, s8  }
0x11: {  	[tilespmem:s2], [sflag:$0x3] =	stream.linear.gather [hbm4b:s15+s2], $0x80, $0x38;
	[tilespmem:$0x2880] =	vst v63  }
0x12: {  	_ =	swait.ge [sflag:s9], $0x80  }
0x13: {  	[sflag:s9] =	ssyncset.done $0x0  }
0x14: {  	[sflag:s9] =	ssyncadd.s32 $0xFFFFFF80  }
0x15: {  	v1 =	vld [tilespmem:$0x70]  }
0x16: {  	v2 =	vld [tilespmem:$0x30]  }
0x17: {  	v3 =	vld [tilespmem:$0x50]  }
0x18: {  	v5 =	vld [tilespmem:$0x20]  }
0x19: {  	v4 =	vld [tilespmem:$0x60]  }
0x1a: {  	v6 =	vld [tilespmem:$0x10];
	v1 =	vadd.s32 v0, v1  }
0x1b: {  	v7 =	vld [tilespmem:$0x40];
	v2 =	vadd.s32 v0, v2;
	[tilespmem:$0x70] =	vst v1  }
0x1c: {  	v1 =	vld [tilespmem:$0x0];
	[tilespmem:$0x30] =	vst v2;
	v2 =	vadd.s32 v0, v3  }
0x1d: {  	v3 =	vadd.s32 v0, v5;
	[tilespmem:$0x50] =	vst v2  }
0x1e: {  	v2 =	vadd.s32 v0, v4;
	[tilespmem:$0x20] =	vst v3  }
0x1f: {  	[tilespmem:$0x60] =	vst v2;
	v2 =	vadd.s32 v0, v6  }
0x20: {  	[tilespmem:$0x10] =	vst v2;
	v2 =	vadd.s32 v0, v7  }
0x21: {  	[tilespmem:$0x40] =	vst v2;
	v1 =	vadd.s32 v0, v1  }
0x22: {  	[tilespmem:$0x0] =	vst v1  }
0x23: {  	[tilespmem:s10], [sflag:$0x1] =	stream.indirect.gather [hbm4b:s1+s10], $0x40, s2, s10, $0xb8;
	[tilespmem:$0x2880] =	vst v63  }
0x24: {  	_ = 	snop  }
0x25: {  	[tilespmem:s11], [sflag:$0x2] =	stream.indirect.gather [hbm4b:s4+s10], $0x10, s2, s10, $0xb8;
	[tilespmem:$0x2880] =	vst v63  }
0x26: {  	_ =	swait.ge [sflag:s12], $0x2000  }
0x27: {  	[sflag:s12] =	ssyncset.done $0x0  }
0x28: {  	[sflag:s12] =	ssyncadd.s32 $0xFFFFE000  }
0x29: {  	s16 =	sadd.s32 $0x100, s6;
	_ =	swait.ge [sflag:s13], $0x800  }
0x2a: {  	s18 =	sadd.s32 $0x400, s7;
	s19 =	smov.u32 s7;
	[sflag:s13] =	ssyncset.done $0x0  }
0x2b: {  	s17 =	smov.u32 s6;
	s15 =	simm.s32 $0x10;
	[sflag:s13] =	ssyncadd.s32 $0xFFFFF800  }
.LBB2_2:
0x2c: {  	[hbm4b:s19+s2] =	stream.linear.scatter [tilespmem:s10], [sflag:$0x3], $0x2000, $0x38;
	[tilespmem:$0x2880] =	vst v63  }
0x2d: {  	s20 =	smov.u32 s15;
	s19 =	smov.u32 s18  }
0x2e: {  	p0 =	sne.s32 s15, $0x1F0;
	s15 =	sadd.s32 $0x10, s15;
	_ =	swait.ge [sflag:s9], $0x2000  }
0x2f: {  	[sflag:s9] =	ssyncset.done $0x0  }
0x30: {  	[sflag:s9] =	ssyncadd.s32 $0xFFFFE000  }
0x31: {  	[hbm4b:s17+s2] =	stream.linear.scatter [tilespmem:s11], [sflag:$0x3], $0x800, $0x38;
	[tilespmem:$0x2880] =	vst v63  }
0x32: {  	s17 =	smov.u32 s16;
	_ =	swait.ge [sflag:s9], $0x800  }
0x33: {  	[sflag:s9] =	ssyncset.done $0x0  }
0x34: {  	s20 =	sadd.s32 s20, s8;
	[sflag:s9] =	ssyncadd.s32 $0xFFFFF800  }
0x35: {  	[tilespmem:s2], [sflag:$0x3] =	stream.linear.gather [hbm4b:s20+s2], $0x80, $0x38;
	[tilespmem:$0x2880] =	vst v63  }
0x36: {  	_ =	swait.ge [sflag:s9], $0x80  }
0x37: {  	[sflag:s9] =	ssyncset.done $0x0  }
0x38: {  	[sflag:s9] =	ssyncadd.s32 $0xFFFFFF80  }
0x39: {  	v1 =	vld [tilespmem:$0x70]  }
0x3a: {  	v2 =	vld [tilespmem:$0x30]  }
0x3b: {  	v3 =	vld [tilespmem:$0x50]  }
0x3c: {  	v4 =	vld [tilespmem:$0x60]  }
0x3d: {  	v5 =	vld [tilespmem:$0x20]  }
0x3e: {  	v6 =	vld [tilespmem:$0x10];
	v1 =	vadd.s32 v0, v1  }
0x3f: {  	v2 =	vadd.s32 v0, v2;
	v7 =	vld [tilespmem:$0x40];
	[tilespmem:$0x70] =	vst v1  }
0x40: {  	v1 =	vld [tilespmem:$0x0];
	[tilespmem:$0x30] =	vst v2;
	v2 =	vadd.s32 v0, v3  }
0x41: {  	[tilespmem:$0x50] =	vst v2;
	v2 =	vadd.s32 v0, v4  }
0x42: {  	v3 =	vadd.s32 v0, v5;
	[tilespmem:$0x60] =	vst v2  }
0x43: {  	v2 =	vadd.s32 v0, v6;
	[tilespmem:$0x20] =	vst v3  }
0x44: {  	[tilespmem:$0x10] =	vst v2;
	v2 =	vadd.s32 v0, v7  }
0x45: {  	v1 =	vadd.s32 v0, v1;
	[tilespmem:$0x40] =	vst v2  }
0x46: {  	[tilespmem:$0x0] =	vst v1  }
0x47: {  	[tilespmem:s10], [sflag:$0x1] =	stream.indirect.gather [hbm4b:s1+s10], $0x40, s2, s10, $0xb8;
	[tilespmem:$0x2880] =	vst v63  }
0x48: {  	_ = 	snop  }
0x49: {  	[tilespmem:s11], [sflag:$0x2] =	stream.indirect.gather [hbm4b:s4+s10], $0x10, s2, s10, $0xb8;
	[tilespmem:$0x2880] =	vst v63  }
0x4a: {  	_ =	swait.ge [sflag:s12], $0x2000  }
.Ltmp0:
0x4b: {  	[sflag:s12] =	ssyncset.done $0x0;
	(pc) =	sbr.rel @p0 .LBB2_2-.Ltmp0, $4  }
0x4c: {  	[sflag:s12] =	ssyncadd.s32 $0xFFFFE000  }
0x4d: {  	_ =	swait.ge [sflag:s13], $0x800  }
0x4e: {  	[sflag:s13] =	ssyncset.done $0x0  }
0x4f: {  	s18 =	sadd.s32 $0x400, s18;
	s16 =	sadd.s32 $0x100, s16;
	[sflag:s13] =	ssyncadd.s32 $0xFFFFF800  }
0x50: {  	[hbm4b:s19+s2] =	stream.linear.scatter [tilespmem:s10], [sflag:$0x3], $0x2000, $0x38;
	[tilespmem:$0x2880] =	vst v63  }
0x51: {  	s14 =	sadd.s32 $0x1, s14;
	_ =	swait.ge [sflag:s9], $0x2000  }
0x52: {  	p0 =	sne.s32 s14, s5;
	[sflag:s9] =	ssyncset.done $0x0  }
.Ltmp1:
0x53: {  	[sflag:s9] =	ssyncadd.s32 $0xFFFFE000;
	(pc) =	sbr.rel @p0 .LBB2_1-.Ltmp1, $4  }
0x54: {  	[hbm4b:s17+s2] =	stream.linear.scatter [tilespmem:s11], [sflag:$0x3], $0x800, $0x38;
	[tilespmem:$0x2880] =	vst v63  }
0x55: {  	_ =	swait.ge [sflag:s9], $0x800  }
0x56: {  	[sflag:s9] =	ssyncset.done $0x0  }
0x57: {  	[sflag:s9] =	ssyncadd.s32 $0xFFFFF800  }
0x58: {  	_ =	sfence.sel $0x180000  }
0x59: {  	[bflag:$0x0] =	sbarrier.arrive $0xFFFF  }
0x5a: {  	p0 =	sne.s32 s3, $0x0;
	_ =	strace $0x90000047  }
0x5b: {  	s0 =	sadd.s32 @!p0 $0x100000, s0;
	[bflag:$0x2] =	sbarrier.arrive $0xFFFF  }
0x5c: {  	[sflag:s0] =	ssyncadd.tile.s32 @!p0 $0x1;
	_ =	shalt  }
.Lfunc_end2:
_tile_overlayer_lowered:
.L_overlay_start_2:
0x5d: {  	(tag) =	ssettag $0x2  }
0x5e: {  	s0 =	rddreg [dreg:$0x0];
	s2 =	stileid.u32  }
0x5f: {  	s1 =	rddreg [dreg:$0x1];
	p0 =	sne.s32 s2, $0x0  }
0x60: {  	s3 =	rddreg [dreg:$0x2];
	[bflag:$0x3] =	sbarrier.arrive $0xFFFF;
	s2 =	simm.s32 @!p0 $0x1C03  }
0x61: {  	[timem:s3], [sflag:s2] =	dma.local @!p0 [hbm:s0], s1  }
0x62: {  	s0 =	simm.s32 @!p0 $0x3  }
0x63: {  	_ =	swait.ge @!p0 [sflag:s0], s1  }
0x64: {  	s1 =	ssub.s32 @!p0 $0x0, s1;
	[sflag:s0] =	ssyncset.done @!p0 $0x0  }
0x65: {  	[sflag:s0] =	ssyncadd.s32 @!p0 s1  }
0x66: {  	[bflag:$0x3] =	sbarrier.arrive $0xFFFF  }
0x67: {  	_ =	shalt  }

</sc_bundles>
